<compile_context>
chip_gen: v7x
topology: tpu7x:2x2x1
jax: 0.10.2.dev20260603
libtpu: 0.0.44.dev20260713+nightly
codegen_flags: <defaults>
</compile_context>

<pallas_src>
import functools

import jax
import jax.numpy as jnp
from jax import lax
from jax.experimental import pallas as pl
from jax.experimental.pallas import tpu as pltpu
from jax.experimental.pallas import tpu_sc as plsc

_B = 4096
_L = 200
_V = 100000
_D = 64

_NC = 2
_NS = 16
_NW = _NC * _NS
_N = _B * _L
_RB = 4
_C = _RB * _L
_GRP = 8
_GSZ = _C // _GRP
_NCHUNKS = _N // _C
_CH_PER_W = _NCHUNKS // _NW

_mesh = plsc.VectorSubcoreMesh(core_axis_name="c", subcore_axis_name="s")


@functools.partial(
    pl.kernel,
    mesh=_mesh,
    out_type=jax.ShapeDtypeStruct((_N, 2 * _D), jnp.float32),
    scratch_types=[
        pltpu.VMEM((_GRP, _GSZ), jnp.int32),
        pltpu.VMEM((_GRP, _GSZ), jnp.int32),
        pltpu.VMEM((_C, _D), jnp.float32),
        pltpu.VMEM((_C, _D), jnp.float32),
        pltpu.VMEM((_L, _D), jnp.float32),
        pltpu.SemaphoreType.DMA,
        pltpu.SemaphoreType.DMA,
        pltpu.SemaphoreType.DMA,
        pltpu.SemaphoreType.DMA,
    ],
    compiler_params=pltpu.CompilerParams(use_tc_tiling_on_sc=False),
)
def _sc_encode(idx_hbm, table_hbm, pos_hbm, out_hbm,
               idx_v0, idx_v1, rows_v0, rows_v1, pos_v,
               gsem0, gsem1, ssem0, ssem1):
    wid = lax.axis_index("s") * _NC + lax.axis_index("c")
    pltpu.sync_copy(pos_hbm, pos_v)
    bufs = ((idx_v0, rows_v0, gsem0, ssem0), (idx_v1, rows_v1, gsem1, ssem1))

    def fire_gathers(c, idx_v, rows_v, gsem):
        chunk = wid * _CH_PER_W + c
        pltpu.sync_copy(idx_hbm.at[pl.ds(chunk * _GRP, _GRP)], idx_v)
        for j in range(_GRP):
            pltpu.async_copy(
                table_hbm.at[idx_v.at[j]],
                rows_v.at[pl.ds(j * _GSZ, _GSZ)],
                gsem,
            )

    def wait_gathers(rows_v, gsem):
        pltpu.make_async_copy(table_hbm.at[pl.ds(0, _C)], rows_v, gsem).wait()

    def wait_store(rows_v, ssem):
        pltpu.make_async_copy(table_hbm.at[pl.ds(0, _C)], rows_v, ssem).wait()

    def fire_store(c, rows_v, ssem):
        chunk = wid * _CH_PER_W + c
        pltpu.async_copy(
            rows_v,
            out_hbm.at[pl.ds(chunk * _C, _C), pl.ds(0, _D)],
            ssem,
        )

    def add_pos(rows_v):
        def pos_body(p, c2):
            pv = [pos_v[p, pl.ds(16 * k, 16)] for k in range(4)]
            for r in range(_RB):
                for k in range(4):
                    rows_v[r * _L + p, pl.ds(16 * k, 16)] += pv[k]
            return c2

        lax.fori_loop(0, _L, pos_body, 0)

    fire_gathers(0, idx_v0, rows_v0, gsem0)

    def outer(g, carry):
        for b in range(2):
            c = 2 * g + b
            idx_p, rows_p, gsem_p, ssem_p = bufs[b]
            idx_q, rows_q, gsem_q, ssem_q = bufs[1 - b]

            @pl.when(c + 1 < _CH_PER_W)
            def _():
                @pl.when(c >= 1)
                def _():
                    wait_store(rows_q, ssem_q)

                fire_gathers(c + 1, idx_q, rows_q, gsem_q)

            wait_gathers(rows_p, gsem_p)
            add_pos(rows_p)
            fire_store(c, rows_p, ssem_p)
        return carry

    lax.fori_loop(0, _CH_PER_W // 2, outer, 0)
    wait_store(rows_v0, ssem0)
    wait_store(rows_v1, ssem1)


def kernel(indices, table, pos_emb):
    idx2 = indices.reshape(_N // _GSZ, _GSZ).astype(jnp.int32)
    out = _sc_encode(idx2, table, pos_emb)
    return out.reshape(_B, _L, 2 * _D)[:, :, :_D]

# --- scband reference (transcript-rebuilt; emitter-appended) ---
"""Pipeline reference for scband-circular-encoder-29420525978091 (READ-ONLY COPY).

The authoritative reference and input builder live on the scoring server;
editing this copy changes nothing except your own understanding.
"""

import jax, jax.numpy as jnp
import numpy as np

B = 4096
L = 200
V = 100000
D = 64

def setup_inputs(seed: int = 0) -> dict:
    key = jax.random.key(seed)
    k1, k2, k3 = jax.random.split(key, 3)
    indices = jax.random.randint(k1, (B, L), 0, V)
    table = jax.random.normal(k2, (V, D), dtype=jnp.float32) * 0.02
    pos_emb = jax.random.normal(k3, (L, D), dtype=jnp.float32) * 0.02
    return {"indices": indices, "table": table, "pos_emb": pos_emb}

def reference(indices, table, pos_emb):
    # CircularEncoder: token embedding lookup plus circular (modulo max_length)
    # learned positional embedding. Output per-position embeddings [B, L, D]
    # with last dim == embedding_dim, consumed downstream by a Linear head.
    tok = jnp.take(table, indices, axis=0)              # [B, L, D] gather
    seq_len = indices.shape[1]
    pos_idx = jnp.arange(seq_len) % pos_emb.shape[0]    # circular wrap-around
    pos = jnp.take(pos_emb, pos_idx, axis=0)            # [L, D] gather
    out = tok + pos[None, :, :]
    return out

if __name__ == "__main__":
    import jax
    _d = setup_inputs()
    print(jax.jit(kernel)(*tuple(_d.values())))

</pallas_src>

<mosaic_0001>
#map = affine_map<(d0, d1) -> (0, 0)>
module attributes {stable_mosaic.version = 14 : i64} {
  func.func @_sc_encode(%arg0: i32, %arg1: i32, %arg2: memref<8192x100xi32, #tpu.memory_space<hbm>>, %arg3: memref<100000x64xf32, #tpu.memory_space<hbm>>, %arg4: memref<200x64xf32, #tpu.memory_space<hbm>>, %arg5: memref<819200x128xf32, #tpu.memory_space<hbm>>, %arg6: memref<8x100xi32, #tpu.memory_space<vmem>>, %arg7: memref<8x100xi32, #tpu.memory_space<vmem>>, %arg8: memref<800x64xf32, #tpu.memory_space<vmem>>, %arg9: memref<800x64xf32, #tpu.memory_space<vmem>>, %arg10: memref<200x64xf32, #tpu.memory_space<vmem>>, %arg11: memref<!tpu.dma_semaphore, #tpu.memory_space<semaphore_mem>>, %arg12: memref<!tpu.dma_semaphore, #tpu.memory_space<semaphore_mem>>, %arg13: memref<!tpu.dma_semaphore, #tpu.memory_space<semaphore_mem>>, %arg14: memref<!tpu.dma_semaphore, #tpu.memory_space<semaphore_mem>>) attributes {dimension_semantics = [#tpu.dimension_semantics<core_parallel>, #tpu.dimension_semantics<subcore_parallel>], iteration_bounds = array<i64: 2, 16>, scalar_prefetch = 0 : i64, scratch_operands = 9 : i64, tpu.core_type = #tpu.core_type<sc_vector_subcore>, window_params = [{transform_indices = #map}, {transform_indices = #map}, {transform_indices = #map}, {transform_indices = #map}]} {
    %mul3A = arith.constant 2 : i32
    %mul3A_0 = arith.muli %arg1, %mul3A : i32
    %add3A = arith.addi %mul3A_0, %arg0 : i32
    "tpu.region"() ({
      %run_scoped3A = tpu.sem_alloc : memref<!tpu.dma_semaphore, #tpu.memory_space<semaphore_mem>>
      tpu.enqueue_dma source(%arg4 : memref<200x64xf32, #tpu.memory_space<hbm>>) target(%arg10 : memref<200x64xf32, #tpu.memory_space<vmem>>) target_semaphore(%run_scoped3A : memref<!tpu.dma_semaphore, #tpu.memory_space<semaphore_mem>>)
      tpu.wait_dma2 semaphore(%run_scoped3A : memref<!tpu.dma_semaphore, #tpu.memory_space<semaphore_mem>>) src(%arg4 : memref<200x64xf32, #tpu.memory_space<hbm>>) dst(%arg10 : memref<200x64xf32, #tpu.memory_space<vmem>>)
      tpu.yield
    }) : () -> ()
    %mul3A_1 = arith.constant 32 : i32
    %mul3A_2 = arith.muli %add3A, %mul3A_1 : i32
    %add3A_3 = arith.constant 0 : i32
    %add3A_4 = arith.addi %mul3A_2, %add3A_3 : i32
    %mul3A_5 = arith.constant 8 : i32
    %mul3A_6 = arith.muli %add3A_4, %mul3A_5 : i32
    "tpu.region"() ({
      %run_scoped3A = tpu.sem_alloc : memref<!tpu.dma_semaphore, #tpu.memory_space<semaphore_mem>>
      %dma_start3A_102 = arith.constant 0 : i32
      %dma_start3A_103 = tpu.memref_slice %arg2[%mul3A_6, %dma_start3A_102] : memref<8192x100xi32, #tpu.memory_space<hbm>> -> memref<8x100xi32, #tpu.memory_space<hbm>>
      %dma_start3A_104 = arith.constant 0 : i32
      %dma_start3A_105 = tpu.memref_slice %arg2[%mul3A_6, %dma_start3A_104] : memref<8192x100xi32, #tpu.memory_space<hbm>> -> memref<8x100xi32, #tpu.memory_space<hbm>>
      tpu.enqueue_dma source(%dma_start3A_105 : memref<8x100xi32, #tpu.memory_space<hbm>>) target(%arg6 : memref<8x100xi32, #tpu.memory_space<vmem>>) target_semaphore(%run_scoped3A : memref<!tpu.dma_semaphore, #tpu.memory_space<semaphore_mem>>)
      %dma_wait3A_106 = arith.constant 0 : i32
      %dma_wait3A_107 = tpu.memref_slice %arg2[%mul3A_6, %dma_wait3A_106] : memref<8192x100xi32, #tpu.memory_space<hbm>> -> memref<8x100xi32, #tpu.memory_space<hbm>>
      %dma_wait3A_108 = arith.constant 0 : i32
      %dma_wait3A_109 = tpu.memref_slice %arg2[%mul3A_6, %dma_wait3A_108] : memref<8192x100xi32, #tpu.memory_space<hbm>> -> memref<8x100xi32, #tpu.memory_space<hbm>>
      tpu.wait_dma2 semaphore(%run_scoped3A : memref<!tpu.dma_semaphore, #tpu.memory_space<semaphore_mem>>) src(%dma_wait3A_109 : memref<8x100xi32, #tpu.memory_space<hbm>>) dst(%arg6 : memref<8x100xi32, #tpu.memory_space<vmem>>)
      tpu.yield
    }) : () -> ()
    %dma_start3A = arith.constant 0 : i32
    %dma_start3A_7 = arith.constant 0 : i32
    %dma_start3A_8 = arith.constant 0 : i32
    %dma_start3A_9 = tpu.memref_slice %arg8[%dma_start3A_7, %dma_start3A_8] : memref<800x64xf32, #tpu.memory_space<vmem>> -> memref<100x64xf32, #tpu.memory_space<vmem>>
    %dma_start3A_10 = arith.constant 0 : i32
    %dma_start3A_11 = tpu.memref_slice %arg6[%dma_start3A, %dma_start3A_10] : memref<8x100xi32, #tpu.memory_space<vmem>> -> memref<1x100xi32, #tpu.memory_space<vmem>>
    %dma_start3A_12 = tpu.memref_squeeze %dma_start3A_11 : memref<1x100xi32, #tpu.memory_space<vmem>> -> memref<100xi32, #tpu.memory_space<vmem>>
    %dma_start3A_13 = arith.constant 0 : i32
    %dma_start3A_14 = arith.constant 0 : i32
    %dma_start3A_15 = tpu.memref_slice %arg3[%dma_start3A_13, %dma_start3A_14] : memref<100000x64xf32, #tpu.memory_space<hbm>> -> memref<100000x64xf32, #tpu.memory_space<hbm>>
    tpu.enqueue_indirect_dma source(%dma_start3A_15 : memref<100000x64xf32, #tpu.memory_space<hbm>>) target(%dma_start3A_9 : memref<100x64xf32, #tpu.memory_space<vmem>>) offsets(%dma_start3A_12 : memref<100xi32, #tpu.memory_space<vmem>>) semaphore(%arg11 : memref<!tpu.dma_semaphore, #tpu.memory_space<semaphore_mem>>)
    %dma_start3A_16 = arith.constant 1 : i32
    %dma_start3A_17 = arith.constant 100 : i32
    %dma_start3A_18 = arith.constant 0 : i32
    %dma_start3A_19 = tpu.memref_slice %arg8[%dma_start3A_17, %dma_start3A_18] : memref<800x64xf32, #tpu.memory_space<vmem>> -> memref<100x64xf32, #tpu.memory_space<vmem>>
    %dma_start3A_20 = arith.constant 0 : i32
    %dma_start3A_21 = tpu.memref_slice %arg6[%dma_start3A_16, %dma_start3A_20] : memref<8x100xi32, #tpu.memory_space<vmem>> -> memref<1x100xi32, #tpu.memory_space<vmem>>
    %dma_start3A_22 = tpu.memref_squeeze %dma_start3A_21 : memref<1x100xi32, #tpu.memory_space<vmem>> -> memref<100xi32, #tpu.memory_space<vmem>>
    %dma_start3A_23 = arith.constant 0 : i32
    %dma_start3A_24 = arith.constant 0 : i32
    %dma_start3A_25 = tpu.memref_slice %arg3[%dma_start3A_23, %dma_start3A_24] : memref<100000x64xf32, #tpu.memory_space<hbm>> -> memref<100000x64xf32, #tpu.memory_space<hbm>>
    tpu.enqueue_indirect_dma source(%dma_start3A_25 : memref<100000x64xf32, #tpu.memory_space<hbm>>) target(%dma_start3A_19 : memref<100x64xf32, #tpu.memory_space<vmem>>) offsets(%dma_start3A_22 : memref<100xi32, #tpu.memory_space<vmem>>) semaphore(%arg11 : memref<!tpu.dma_semaphore, #tpu.memory_space<semaphore_mem>>)
    %dma_start3A_26 = arith.constant 2 : i32
    %dma_start3A_27 = arith.constant 200 : i32
    %dma_start3A_28 = arith.constant 0 : i32
    %dma_start3A_29 = tpu.memref_slice %arg8[%dma_start3A_27, %dma_start3A_28] : memref<800x64xf32, #tpu.memory_space<vmem>> -> memref<100x64xf32, #tpu.memory_space<vmem>>
    %dma_start3A_30 = arith.constant 0 : i32
    %dma_start3A_31 = tpu.memref_slice %arg6[%dma_start3A_26, %dma_start3A_30] : memref<8x100xi32, #tpu.memory_space<vmem>> -> memref<1x100xi32, #tpu.memory_space<vmem>>
    %dma_start3A_32 = tpu.memref_squeeze %dma_start3A_31 : memref<1x100xi32, #tpu.memory_space<vmem>> -> memref<100xi32, #tpu.memory_space<vmem>>
    %dma_start3A_33 = arith.constant 0 : i32
    %dma_start3A_34 = arith.constant 0 : i32
    %dma_start3A_35 = tpu.memref_slice %arg3[%dma_start3A_33, %dma_start3A_34] : memref<100000x64xf32, #tpu.memory_space<hbm>> -> memref<100000x64xf32, #tpu.memory_space<hbm>>
    tpu.enqueue_indirect_dma source(%dma_start3A_35 : memref<100000x64xf32, #tpu.memory_space<hbm>>) target(%dma_start3A_29 : memref<100x64xf32, #tpu.memory_space<vmem>>) offsets(%dma_start3A_32 : memref<100xi32, #tpu.memory_space<vmem>>) semaphore(%arg11 : memref<!tpu.dma_semaphore, #tpu.memory_space<semaphore_mem>>)
    %dma_start3A_36 = arith.constant 3 : i32
    %dma_start3A_37 = arith.constant 300 : i32
    %dma_start3A_38 = arith.constant 0 : i32
    %dma_start3A_39 = tpu.memref_slice %arg8[%dma_start3A_37, %dma_start3A_38] : memref<800x64xf32, #tpu.memory_space<vmem>> -> memref<100x64xf32, #tpu.memory_space<vmem>>
    %dma_start3A_40 = arith.constant 0 : i32
    %dma_start3A_41 = tpu.memref_slice %arg6[%dma_start3A_36, %dma_start3A_40] : memref<8x100xi32, #tpu.memory_space<vmem>> -> memref<1x100xi32, #tpu.memory_space<vmem>>
    %dma_start3A_42 = tpu.memref_squeeze %dma_start3A_41 : memref<1x100xi32, #tpu.memory_space<vmem>> -> memref<100xi32, #tpu.memory_space<vmem>>
    %dma_start3A_43 = arith.constant 0 : i32
    %dma_start3A_44 = arith.constant 0 : i32
    %dma_start3A_45 = tpu.memref_slice %arg3[%dma_start3A_43, %dma_start3A_44] : memref<100000x64xf32, #tpu.memory_space<hbm>> -> memref<100000x64xf32, #tpu.memory_space<hbm>>
    tpu.enqueue_indirect_dma source(%dma_start3A_45 : memref<100000x64xf32, #tpu.memory_space<hbm>>) target(%dma_start3A_39 : memref<100x64xf32, #tpu.memory_space<vmem>>) offsets(%dma_start3A_42 : memref<100xi32, #tpu.memory_space<vmem>>) semaphore(%arg11 : memref<!tpu.dma_semaphore, #tpu.memory_space<semaphore_mem>>)
    %dma_start3A_46 = arith.constant 4 : i32
    %dma_start3A_47 = arith.constant 400 : i32
    %dma_start3A_48 = arith.constant 0 : i32
    %dma_start3A_49 = tpu.memref_slice %arg8[%dma_start3A_47, %dma_start3A_48] : memref<800x64xf32, #tpu.memory_space<vmem>> -> memref<100x64xf32, #tpu.memory_space<vmem>>
    %dma_start3A_50 = arith.constant 0 : i32
    %dma_start3A_51 = tpu.memref_slice %arg6[%dma_start3A_46, %dma_start3A_50] : memref<8x100xi32, #tpu.memory_space<vmem>> -> memref<1x100xi32, #tpu.memory_space<vmem>>
    %dma_start3A_52 = tpu.memref_squeeze %dma_start3A_51 : memref<1x100xi32, #tpu.memory_space<vmem>> -> memref<100xi32, #tpu.memory_space<vmem>>
    %dma_start3A_53 = arith.constant 0 : i32
    %dma_start3A_54 = arith.constant 0 : i32
    %dma_start3A_55 = tpu.memref_slice %arg3[%dma_start3A_53, %dma_start3A_54] : memref<100000x64xf32, #tpu.memory_space<hbm>> -> memref<100000x64xf32, #tpu.memory_space<hbm>>
    tpu.enqueue_indirect_dma source(%dma_start3A_55 : memref<100000x64xf32, #tpu.memory_space<hbm>>) target(%dma_start3A_49 : memref<100x64xf32, #tpu.memory_space<vmem>>) offsets(%dma_start3A_52 : memref<100xi32, #tpu.memory_space<vmem>>) semaphore(%arg11 : memref<!tpu.dma_semaphore, #tpu.memory_space<semaphore_mem>>)
    %dma_start3A_56 = arith.constant 5 : i32
    %dma_start3A_57 = arith.constant 500 : i32
    %dma_start3A_58 = arith.constant 0 : i32
    %dma_start3A_59 = tpu.memref_slice %arg8[%dma_start3A_57, %dma_start3A_58] : memref<800x64xf32, #tpu.memory_space<vmem>> -> memref<100x64xf32, #tpu.memory_space<vmem>>
    %dma_start3A_60 = arith.constant 0 : i32
    %dma_start3A_61 = tpu.memref_slice %arg6[%dma_start3A_56, %dma_start3A_60] : memref<8x100xi32, #tpu.memory_space<vmem>> -> memref<1x100xi32, #tpu.memory_space<vmem>>
    %dma_start3A_62 = tpu.memref_squeeze %dma_start3A_61 : memref<1x100xi32, #tpu.memory_space<vmem>> -> memref<100xi32, #tpu.memory_space<vmem>>
    %dma_start3A_63 = arith.constant 0 : i32
    %dma_start3A_64 = arith.constant 0 : i32
    %dma_start3A_65 = tpu.memref_slice %arg3[%dma_start3A_63, %dma_start3A_64] : memref<100000x64xf32, #tpu.memory_space<hbm>> -> memref<100000x64xf32, #tpu.memory_space<hbm>>
    tpu.enqueue_indirect_dma source(%dma_start3A_65 : memref<100000x64xf32, #tpu.memory_space<hbm>>) target(%dma_start3A_59 : memref<100x64xf32, #tpu.memory_space<vmem>>) offsets(%dma_start3A_62 : memref<100xi32, #tpu.memory_space<vmem>>) semaphore(%arg11 : memref<!tpu.dma_semaphore, #tpu.memory_space<semaphore_mem>>)
    %dma_start3A_66 = arith.constant 6 : i32
    %dma_start3A_67 = arith.constant 600 : i32
    %dma_start3A_68 = arith.constant 0 : i32
    %dma_start3A_69 = tpu.memref_slice %arg8[%dma_start3A_67, %dma_start3A_68] : memref<800x64xf32, #tpu.memory_space<vmem>> -> memref<100x64xf32, #tpu.memory_space<vmem>>
    %dma_start3A_70 = arith.constant 0 : i32
    %dma_start3A_71 = tpu.memref_slice %arg6[%dma_start3A_66, %dma_start3A_70] : memref<8x100xi32, #tpu.memory_space<vmem>> -> memref<1x100xi32, #tpu.memory_space<vmem>>
    %dma_start3A_72 = tpu.memref_squeeze %dma_start3A_71 : memref<1x100xi32, #tpu.memory_space<vmem>> -> memref<100xi32, #tpu.memory_space<vmem>>
    %dma_start3A_73 = arith.constant 0 : i32
    %dma_start3A_74 = arith.constant 0 : i32
    %dma_start3A_75 = tpu.memref_slice %arg3[%dma_start3A_73, %dma_start3A_74] : memref<100000x64xf32, #tpu.memory_space<hbm>> -> memref<100000x64xf32, #tpu.memory_space<hbm>>
    tpu.enqueue_indirect_dma source(%dma_start3A_75 : memref<100000x64xf32, #tpu.memory_space<hbm>>) target(%dma_start3A_69 : memref<100x64xf32, #tpu.memory_space<vmem>>) offsets(%dma_start3A_72 : memref<100xi32, #tpu.memory_space<vmem>>) semaphore(%arg11 : memref<!tpu.dma_semaphore, #tpu.memory_space<semaphore_mem>>)
    %dma_start3A_76 = arith.constant 7 : i32
    %dma_start3A_77 = arith.constant 700 : i32
    %dma_start3A_78 = arith.constant 0 : i32
    %dma_start3A_79 = tpu.memref_slice %arg8[%dma_start3A_77, %dma_start3A_78] : memref<800x64xf32, #tpu.memory_space<vmem>> -> memref<100x64xf32, #tpu.memory_space<vmem>>
    %dma_start3A_80 = arith.constant 0 : i32
    %dma_start3A_81 = tpu.memref_slice %arg6[%dma_start3A_76, %dma_start3A_80] : memref<8x100xi32, #tpu.memory_space<vmem>> -> memref<1x100xi32, #tpu.memory_space<vmem>>
    %dma_start3A_82 = tpu.memref_squeeze %dma_start3A_81 : memref<1x100xi32, #tpu.memory_space<vmem>> -> memref<100xi32, #tpu.memory_space<vmem>>
    %dma_start3A_83 = arith.constant 0 : i32
    %dma_start3A_84 = arith.constant 0 : i32
    %dma_start3A_85 = tpu.memref_slice %arg3[%dma_start3A_83, %dma_start3A_84] : memref<100000x64xf32, #tpu.memory_space<hbm>> -> memref<100000x64xf32, #tpu.memory_space<hbm>>
    tpu.enqueue_indirect_dma source(%dma_start3A_85 : memref<100000x64xf32, #tpu.memory_space<hbm>>) target(%dma_start3A_79 : memref<100x64xf32, #tpu.memory_space<vmem>>) offsets(%dma_start3A_82 : memref<100xi32, #tpu.memory_space<vmem>>) semaphore(%arg11 : memref<!tpu.dma_semaphore, #tpu.memory_space<semaphore_mem>>)
    %scan3A = arith.constant 0 : i32
    %scan3A_86 = arith.constant 0 : i32
    %scan3A_87 = arith.constant 16 : i32
    %scan3A_88 = arith.addi %scan3A_86, %scan3A_87 : i32
    %scan3A_89 = arith.constant 1 : i32
    scf.for %scan3A_102 = %scan3A_86 to %scan3A_88 step %scan3A_89  : i32 {
      %mul3A_103 = arith.constant 2 : i32
      %mul3A_104 = arith.muli %mul3A_103, %scan3A_102 : i32
      %add3A_105 = arith.constant 0 : i32
      %add3A_106 = arith.addi %mul3A_104, %add3A_105 : i32
      %add3A_107 = arith.constant 1 : i32
      %add3A_108 = arith.addi %add3A_106, %add3A_107 : i32
      %lt3A = arith.constant 32 : i32
      %lt3A_109 = arith.cmpi slt, %add3A_108, %lt3A : i32
      %convert_element_type3A = arith.extui %lt3A_109 : i1 to i32
      %cond3A = arith.constant 0 : i32
      %cond3A_110 = arith.cmpi ne, %convert_element_type3A, %cond3A : i32
      scf.if %cond3A_110 {
        %ge3A = arith.constant 1 : i32
        %ge3A_164 = arith.cmpi sge, %add3A_106, %ge3A : i32
        %convert_element_type3A_165 = arith.extui %ge3A_164 : i1 to i32
        %cond3A_166 = arith.constant 0 : i32
        %cond3A_167 = arith.cmpi ne, %convert_element_type3A_165, %cond3A_166 : i32
        scf.if %cond3A_167 {
          %dma_wait3A_255 = arith.constant 0 : i32
          %dma_wait3A_256 = arith.constant 0 : i32
          %dma_wait3A_257 = tpu.memref_slice %arg3[%dma_wait3A_255, %dma_wait3A_256] : memref<100000x64xf32, #tpu.memory_space<hbm>> -> memref<800x64xf32, #tpu.memory_space<hbm>>
          %dma_wait3A_258 = arith.constant 0 : i32
          %dma_wait3A_259 = arith.constant 0 : i32
          %dma_wait3A_260 = tpu.memref_slice %arg3[%dma_wait3A_258, %dma_wait3A_259] : memref<100000x64xf32, #tpu.memory_space<hbm>> -> memref<800x64xf32, #tpu.memory_space<hbm>>
          tpu.wait_dma2 semaphore(%arg14 : memref<!tpu.dma_semaphore, #tpu.memory_space<semaphore_mem>>) src(%dma_wait3A_260 : memref<800x64xf32, #tpu.memory_space<hbm>>) dst(%arg9 : memref<800x64xf32, #tpu.memory_space<vmem>>)
        } else {
        }
        %add3A_168 = arith.constant 1 : i32
        %add3A_169 = arith.addi %add3A_106, %add3A_168 : i32
        %mul3A_170 = arith.constant 32 : i32
        %mul3A_171 = arith.muli %add3A, %mul3A_170 : i32
        %add3A_172 = arith.addi %mul3A_171, %add3A_169 : i32
        %mul3A_173 = arith.constant 8 : i32
        %mul3A_174 = arith.muli %add3A_172, %mul3A_173 : i32
        "tpu.region"() ({
          %run_scoped3A = tpu.sem_alloc : memref<!tpu.dma_semaphore, #tpu.memory_space<semaphore_mem>>
          %dma_start3A_255 = arith.constant 0 : i32
          %dma_start3A_256 = tpu.memref_slice %arg2[%mul3A_174, %dma_start3A_255] : memref<8192x100xi32, #tpu.memory_space<hbm>> -> memref<8x100xi32, #tpu.memory_space<hbm>>
          %dma_start3A_257 = arith.constant 0 : i32
          %dma_start3A_258 = tpu.memref_slice %arg2[%mul3A_174, %dma_start3A_257] : memref<8192x100xi32, #tpu.memory_space<hbm>> -> memref<8x100xi32, #tpu.memory_space<hbm>>
          tpu.enqueue_dma source(%dma_start3A_258 : memref<8x100xi32, #tpu.memory_space<hbm>>) target(%arg7 : memref<8x100xi32, #tpu.memory_space<vmem>>) target_semaphore(%run_scoped3A : memref<!tpu.dma_semaphore, #tpu.memory_space<semaphore_mem>>)
          %dma_wait3A_259 = arith.constant 0 : i32
          %dma_wait3A_260 = tpu.memref_slice %arg2[%mul3A_174, %dma_wait3A_259] : memref<8192x100xi32, #tpu.memory_space<hbm>> -> memref<8x100xi32, #tpu.memory_space<hbm>>
          %dma_wait3A_261 = arith.constant 0 : i32
          %dma_wait3A_262 = tpu.memref_slice %arg2[%mul3A_174, %dma_wait3A_261] : memref<8192x100xi32, #tpu.memory_space<hbm>> -> memref<8x100xi32, #tpu.memory_space<hbm>>
          tpu.wait_dma2 semaphore(%run_scoped3A : memref<!tpu.dma_semaphore, #tpu.memory_space<semaphore_mem>>) src(%dma_wait3A_262 : memref<8x100xi32, #tpu.memory_space<hbm>>) dst(%arg7 : memref<8x100xi32, #tpu.memory_space<vmem>>)
          tpu.yield
        }) : () -> ()
        %dma_start3A_175 = arith.constant 0 : i32
        %dma_start3A_176 = arith.constant 0 : i32
        %dma_start3A_177 = arith.constant 0 : i32
        %dma_start3A_178 = tpu.memref_slice %arg9[%dma_start3A_176, %dma_start3A_177] : memref<800x64xf32, #tpu.memory_space<vmem>> -> memref<100x64xf32, #tpu.memory_space<vmem>>
        %dma_start3A_179 = arith.constant 0 : i32
        %dma_start3A_180 = tpu.memref_slice %arg7[%dma_start3A_175, %dma_start3A_179] : memref<8x100xi32, #tpu.memory_space<vmem>> -> memref<1x100xi32, #tpu.memory_space<vmem>>
        %dma_start3A_181 = tpu.memref_squeeze %dma_start3A_180 : memref<1x100xi32, #tpu.memory_space<vmem>> -> memref<100xi32, #tpu.memory_space<vmem>>
        %dma_start3A_182 = arith.constant 0 : i32
        %dma_start3A_183 = arith.constant 0 : i32
        %dma_start3A_184 = tpu.memref_slice %arg3[%dma_start3A_182, %dma_start3A_183] : memref<100000x64xf32, #tpu.memory_space<hbm>> -> memref<100000x64xf32, #tpu.memory_space<hbm>>
        tpu.enqueue_indirect_dma source(%dma_start3A_184 : memref<100000x64xf32, #tpu.memory_space<hbm>>) target(%dma_start3A_178 : memref<100x64xf32, #tpu.memory_space<vmem>>) offsets(%dma_start3A_181 : memref<100xi32, #tpu.memory_space<vmem>>) semaphore(%arg12 : memref<!tpu.dma_semaphore, #tpu.memory_space<semaphore_mem>>)
        %dma_start3A_185 = arith.constant 1 : i32
        %dma_start3A_186 = arith.constant 100 : i32
        %dma_start3A_187 = arith.constant 0 : i32
        %dma_start3A_188 = tpu.memref_slice %arg9[%dma_start3A_186, %dma_start3A_187] : memref<800x64xf32, #tpu.memory_space<vmem>> -> memref<100x64xf32, #tpu.memory_space<vmem>>
        %dma_start3A_189 = arith.constant 0 : i32
        %dma_start3A_190 = tpu.memref_slice %arg7[%dma_start3A_185, %dma_start3A_189] : memref<8x100xi32, #tpu.memory_space<vmem>> -> memref<1x100xi32, #tpu.memory_space<vmem>>
        %dma_start3A_191 = tpu.memref_squeeze %dma_start3A_190 : memref<1x100xi32, #tpu.memory_space<vmem>> -> memref<100xi32, #tpu.memory_space<vmem>>
        %dma_start3A_192 = arith.constant 0 : i32
        %dma_start3A_193 = arith.constant 0 : i32
        %dma_start3A_194 = tpu.memref_slice %arg3[%dma_start3A_192, %dma_start3A_193] : memref<100000x64xf32, #tpu.memory_space<hbm>> -> memref<100000x64xf32, #tpu.memory_space<hbm>>
        tpu.enqueue_indirect_dma source(%dma_start3A_194 : memref<100000x64xf32, #tpu.memory_space<hbm>>) target(%dma_start3A_188 : memref<100x64xf32, #tpu.memory_space<vmem>>) offsets(%dma_start3A_191 : memref<100xi32, #tpu.memory_space<vmem>>) semaphore(%arg12 : memref<!tpu.dma_semaphore, #tpu.memory_space<semaphore_mem>>)
        %dma_start3A_195 = arith.constant 2 : i32
        %dma_start3A_196 = arith.constant 200 : i32
        %dma_start3A_197 = arith.constant 0 : i32
        %dma_start3A_198 = tpu.memref_slice %arg9[%dma_start3A_196, %dma_start3A_197] : memref<800x64xf32, #tpu.memory_space<vmem>> -> memref<100x64xf32, #tpu.memory_space<vmem>>
        %dma_start3A_199 = arith.constant 0 : i32
        %dma_start3A_200 = tpu.memref_slice %arg7[%dma_start3A_195, %dma_start3A_199] : memref<8x100xi32, #tpu.memory_space<vmem>> -> memref<1x100xi32, #tpu.memory_space<vmem>>
        %dma_start3A_201 = tpu.memref_squeeze %dma_start3A_200 : memref<1x100xi32, #tpu.memory_space<vmem>> -> memref<100xi32, #tpu.memory_space<vmem>>
        %dma_start3A_202 = arith.constant 0 : i32
        %dma_start3A_203 = arith.constant 0 : i32
        %dma_start3A_204 = tpu.memref_slice %arg3[%dma_start3A_202, %dma_start3A_203] : memref<100000x64xf32, #tpu.memory_space<hbm>> -> memref<100000x64xf32, #tpu.memory_space<hbm>>
        tpu.enqueue_indirect_dma source(%dma_start3A_204 : memref<100000x64xf32, #tpu.memory_space<hbm>>) target(%dma_start3A_198 : memref<100x64xf32, #tpu.memory_space<vmem>>) offsets(%dma_start3A_201 : memref<100xi32, #tpu.memory_space<vmem>>) semaphore(%arg12 : memref<!tpu.dma_semaphore, #tpu.memory_space<semaphore_mem>>)
        %dma_start3A_205 = arith.constant 3 : i32
        %dma_start3A_206 = arith.constant 300 : i32
        %dma_start3A_207 = arith.constant 0 : i32
        %dma_start3A_208 = tpu.memref_slice %arg9[%dma_start3A_206, %dma_start3A_207] : memref<800x64xf32, #tpu.memory_space<vmem>> -> memref<100x64xf32, #tpu.memory_space<vmem>>
        %dma_start3A_209 = arith.constant 0 : i32
        %dma_start3A_210 = tpu.memref_slice %arg7[%dma_start3A_205, %dma_start3A_209] : memref<8x100xi32, #tpu.memory_space<vmem>> -> memref<1x100xi32, #tpu.memory_space<vmem>>
        %dma_start3A_211 = tpu.memref_squeeze %dma_start3A_210 : memref<1x100xi32, #tpu.memory_space<vmem>> -> memref<100xi32, #tpu.memory_space<vmem>>
        %dma_start3A_212 = arith.constant 0 : i32
        %dma_start3A_213 = arith.constant 0 : i32
        %dma_start3A_214 = tpu.memref_slice %arg3[%dma_start3A_212, %dma_start3A_213] : memref<100000x64xf32, #tpu.memory_space<hbm>> -> memref<100000x64xf32, #tpu.memory_space<hbm>>
        tpu.enqueue_indirect_dma source(%dma_start3A_214 : memref<100000x64xf32, #tpu.memory_space<hbm>>) target(%dma_start3A_208 : memref<100x64xf32, #tpu.memory_space<vmem>>) offsets(%dma_start3A_211 : memref<100xi32, #tpu.memory_space<vmem>>) semaphore(%arg12 : memref<!tpu.dma_semaphore, #tpu.memory_space<semaphore_mem>>)
        %dma_start3A_215 = arith.constant 4 : i32
        %dma_start3A_216 = arith.constant 400 : i32
        %dma_start3A_217 = arith.constant 0 : i32
        %dma_start3A_218 = tpu.memref_slice %arg9[%dma_start3A_216, %dma_start3A_217] : memref<800x64xf32, #tpu.memory_space<vmem>> -> memref<100x64xf32, #tpu.memory_space<vmem>>
        %dma_start3A_219 = arith.constant 0 : i32
        %dma_start3A_220 = tpu.memref_slice %arg7[%dma_start3A_215, %dma_start3A_219] : memref<8x100xi32, #tpu.memory_space<vmem>> -> memref<1x100xi32, #tpu.memory_space<vmem>>
        %dma_start3A_221 = tpu.memref_squeeze %dma_start3A_220 : memref<1x100xi32, #tpu.memory_space<vmem>> -> memref<100xi32, #tpu.memory_space<vmem>>
        %dma_start3A_222 = arith.constant 0 : i32
        %dma_start3A_223 = arith.constant 0 : i32
        %dma_start3A_224 = tpu.memref_slice %arg3[%dma_start3A_222, %dma_start3A_223] : memref<100000x64xf32, #tpu.memory_space<hbm>> -> memref<100000x64xf32, #tpu.memory_space<hbm>>
        tpu.enqueue_indirect_dma source(%dma_start3A_224 : memref<100000x64xf32, #tpu.memory_space<hbm>>) target(%dma_start3A_218 : memref<100x64xf32, #tpu.memory_space<vmem>>) offsets(%dma_start3A_221 : memref<100xi32, #tpu.memory_space<vmem>>) semaphore(%arg12 : memref<!tpu.dma_semaphore, #tpu.memory_space<semaphore_mem>>)
        %dma_start3A_225 = arith.constant 5 : i32
        %dma_start3A_226 = arith.constant 500 : i32
        %dma_start3A_227 = arith.constant 0 : i32
        %dma_start3A_228 = tpu.memref_slice %arg9[%dma_start3A_226, %dma_start3A_227] : memref<800x64xf32, #tpu.memory_space<vmem>> -> memref<100x64xf32, #tpu.memory_space<vmem>>
        %dma_start3A_229 = arith.constant 0 : i32
        %dma_start3A_230 = tpu.memref_slice %arg7[%dma_start3A_225, %dma_start3A_229] : memref<8x100xi32, #tpu.memory_space<vmem>> -> memref<1x100xi32, #tpu.memory_space<vmem>>
        %dma_start3A_231 = tpu.memref_squeeze %dma_start3A_230 : memref<1x100xi32, #tpu.memory_space<vmem>> -> memref<100xi32, #tpu.memory_space<vmem>>
        %dma_start3A_232 = arith.constant 0 : i32
        %dma_start3A_233 = arith.constant 0 : i32
        %dma_start3A_234 = tpu.memref_slice %arg3[%dma_start3A_232, %dma_start3A_233] : memref<100000x64xf32, #tpu.memory_space<hbm>> -> memref<100000x64xf32, #tpu.memory_space<hbm>>
        tpu.enqueue_indirect_dma source(%dma_start3A_234 : memref<100000x64xf32, #tpu.memory_space<hbm>>) target(%dma_start3A_228 : memref<100x64xf32, #tpu.memory_space<vmem>>) offsets(%dma_start3A_231 : memref<100xi32, #tpu.memory_space<vmem>>) semaphore(%arg12 : memref<!tpu.dma_semaphore, #tpu.memory_space<semaphore_mem>>)
        %dma_start3A_235 = arith.constant 6 : i32
        %dma_start3A_236 = arith.constant 600 : i32
        %dma_start3A_237 = arith.constant 0 : i32
        %dma_start3A_238 = tpu.memref_slice %arg9[%dma_start3A_236, %dma_start3A_237] : memref<800x64xf32, #tpu.memory_space<vmem>> -> memref<100x64xf32, #tpu.memory_space<vmem>>
        %dma_start3A_239 = arith.constant 0 : i32
        %dma_start3A_240 = tpu.memref_slice %arg7[%dma_start3A_235, %dma_start3A_239] : memref<8x100xi32, #tpu.memory_space<vmem>> -> memref<1x100xi32, #tpu.memory_space<vmem>>
        %dma_start3A_241 = tpu.memref_squeeze %dma_start3A_240 : memref<1x100xi32, #tpu.memory_space<vmem>> -> memref<100xi32, #tpu.memory_space<vmem>>
        %dma_start3A_242 = arith.constant 0 : i32
        %dma_start3A_243 = arith.constant 0 : i32
        %dma_start3A_244 = tpu.memref_slice %arg3[%dma_start3A_242, %dma_start3A_243] : memref<100000x64xf32, #tpu.memory_space<hbm>> -> memref<100000x64xf32, #tpu.memory_space<hbm>>
        tpu.enqueue_indirect_dma source(%dma_start3A_244 : memref<100000x64xf32, #tpu.memory_space<hbm>>) target(%dma_start3A_238 : memref<100x64xf32, #tpu.memory_space<vmem>>) offsets(%dma_start3A_241 : memref<100xi32, #tpu.memory_space<vmem>>) semaphore(%arg12 : memref<!tpu.dma_semaphore, #tpu.memory_space<semaphore_mem>>)
        %dma_start3A_245 = arith.constant 7 : i32
        %dma_start3A_246 = arith.constant 700 : i32
        %dma_start3A_247 = arith.constant 0 : i32
        %dma_start3A_248 = tpu.memref_slice %arg9[%dma_start3A_246, %dma_start3A_247] : memref<800x64xf32, #tpu.memory_space<vmem>> -> memref<100x64xf32, #tpu.memory_space<vmem>>
        %dma_start3A_249 = arith.constant 0 : i32
        %dma_start3A_250 = tpu.memref_slice %arg7[%dma_start3A_245, %dma_start3A_249] : memref<8x100xi32, #tpu.memory_space<vmem>> -> memref<1x100xi32, #tpu.memory_space<vmem>>
        %dma_start3A_251 = tpu.memref_squeeze %dma_start3A_250 : memref<1x100xi32, #tpu.memory_space<vmem>> -> memref<100xi32, #tpu.memory_space<vmem>>
        %dma_start3A_252 = arith.constant 0 : i32
        %dma_start3A_253 = arith.constant 0 : i32
        %dma_start3A_254 = tpu.memref_slice %arg3[%dma_start3A_252, %dma_start3A_253] : memref<100000x64xf32, #tpu.memory_space<hbm>> -> memref<100000x64xf32, #tpu.memory_space<hbm>>
        tpu.enqueue_indirect_dma source(%dma_start3A_254 : memref<100000x64xf32, #tpu.memory_space<hbm>>) target(%dma_start3A_248 : memref<100x64xf32, #tpu.memory_space<vmem>>) offsets(%dma_start3A_251 : memref<100xi32, #tpu.memory_space<vmem>>) semaphore(%arg12 : memref<!tpu.dma_semaphore, #tpu.memory_space<semaphore_mem>>)
      } else {
      }
      %dma_wait3A_111 = arith.constant 0 : i32
      %dma_wait3A_112 = arith.constant 0 : i32
      %dma_wait3A_113 = tpu.memref_slice %arg3[%dma_wait3A_111, %dma_wait3A_112] : memref<100000x64xf32, #tpu.memory_space<hbm>> -> memref<800x64xf32, #tpu.memory_space<hbm>>
      %dma_wait3A_114 = arith.constant 0 : i32
      %dma_wait3A_115 = arith.constant 0 : i32
      %dma_wait3A_116 = tpu.memref_slice %arg3[%dma_wait3A_114, %dma_wait3A_115] : memref<100000x64xf32, #tpu.memory_space<hbm>> -> memref<800x64xf32, #tpu.memory_space<hbm>>
      tpu.wait_dma2 semaphore(%arg11 : memref<!tpu.dma_semaphore, #tpu.memory_space<semaphore_mem>>) src(%dma_wait3A_116 : memref<800x64xf32, #tpu.memory_space<hbm>>) dst(%arg8 : memref<800x64xf32, #tpu.memory_space<vmem>>)
      %scan3A_117 = arith.constant 0 : i32
      %scan3A_118 = arith.constant 0 : i32
      %scan3A_119 = arith.constant 200 : i32
      %scan3A_120 = arith.addi %scan3A_118, %scan3A_119 : i32
      %scan3A_121 = arith.constant 1 : i32
      scf.for %scan3A_164 = %scan3A_118 to %scan3A_120 step %scan3A_121  : i32 {
        %get3A = arith.index_cast %scan3A_164 : i32 to index
        %get3A_165 = arith.constant 0 : index
        %get3A_166 = tpu.vector_load %arg10[%get3A, %get3A_165] {strides = array<i32>} : memref<200x64xf32, #tpu.memory_space<vmem>>, vector<1x16xf32>,
        %get3A_167 = vector.shape_cast %get3A_166 : vector<1x16xf32> to vector<16xf32>
        %get3A_168 = arith.index_cast %scan3A_164 : i32 to index
        %get3A_169 = arith.constant 16 : index
        %get3A_170 = tpu.vector_load %arg10[%get3A_168, %get3A_169] {strides = array<i32>} : memref<200x64xf32, #tpu.memory_space<vmem>>, vector<1x16xf32>,
        %get3A_171 = vector.shape_cast %get3A_170 : vector<1x16xf32> to vector<16xf32>
        %get3A_172 = arith.index_cast %scan3A_164 : i32 to index
        %get3A_173 = arith.constant 32 : index
        %get3A_174 = tpu.vector_load %arg10[%get3A_172, %get3A_173] {strides = array<i32>} : memref<200x64xf32, #tpu.memory_space<vmem>>, vector<1x16xf32>,
        %get3A_175 = vector.shape_cast %get3A_174 : vector<1x16xf32> to vector<16xf32>
        %get3A_176 = arith.index_cast %scan3A_164 : i32 to index
        %get3A_177 = arith.constant 48 : index
        %get3A_178 = tpu.vector_load %arg10[%get3A_176, %get3A_177] {strides = array<i32>} : memref<200x64xf32, #tpu.memory_space<vmem>>, vector<1x16xf32>,
        %get3A_179 = vector.shape_cast %get3A_178 : vector<1x16xf32> to vector<16xf32>
        %add3A_180 = arith.constant 0 : i32
        %add3A_181 = arith.addi %add3A_180, %scan3A_164 : i32
        %get3A_182 = arith.index_cast %add3A_181 : i32 to index
        %get3A_183 = arith.constant 0 : index
        %get3A_184 = tpu.vector_load %arg8[%get3A_182, %get3A_183] {strides = array<i32>} : memref<800x64xf32, #tpu.memory_space<vmem>>, vector<1x16xf32>,
        %get3A_185 = vector.shape_cast %get3A_184 : vector<1x16xf32> to vector<16xf32>
        %add3A_186 = arith.addf %get3A_185, %get3A_167 : vector<16xf32>
        %swap3A = arith.index_cast %add3A_181 : i32 to index
        %swap3A_187 = arith.constant 0 : index
        %swap3A_188 = tpu.vector_load %arg8[%swap3A, %swap3A_187] {strides = array<i32>} : memref<800x64xf32, #tpu.memory_space<vmem>>, vector<1x16xf32>,
        %swap3A_189 = vector.shape_cast %swap3A_188 : vector<1x16xf32> to vector<16xf32>
        %swap3A_190 = vector.shape_cast %add3A_186 : vector<16xf32> to vector<1x16xf32>
        tpu.vector_store %arg8[%swap3A, %swap3A_187], %swap3A_190 {strides = array<i32>} : memref<800x64xf32, #tpu.memory_space<vmem>>, vector<1x16xf32>,
        %add3A_191 = arith.constant 0 : i32
        %add3A_192 = arith.addi %add3A_191, %scan3A_164 : i32
        %get3A_193 = arith.index_cast %add3A_192 : i32 to index
        %get3A_194 = arith.constant 16 : index
        %get3A_195 = tpu.vector_load %arg8[%get3A_193, %get3A_194] {strides = array<i32>} : memref<800x64xf32, #tpu.memory_space<vmem>>, vector<1x16xf32>,
        %get3A_196 = vector.shape_cast %get3A_195 : vector<1x16xf32> to vector<16xf32>
        %add3A_197 = arith.addf %get3A_196, %get3A_171 : vector<16xf32>
        %swap3A_198 = arith.index_cast %add3A_192 : i32 to index
        %swap3A_199 = arith.constant 16 : index
        %swap3A_200 = tpu.vector_load %arg8[%swap3A_198, %swap3A_199] {strides = array<i32>} : memref<800x64xf32, #tpu.memory_space<vmem>>, vector<1x16xf32>,
        %swap3A_201 = vector.shape_cast %swap3A_200 : vector<1x16xf32> to vector<16xf32>
        %swap3A_202 = vector.shape_cast %add3A_197 : vector<16xf32> to vector<1x16xf32>
        tpu.vector_store %arg8[%swap3A_198, %swap3A_199], %swap3A_202 {strides = array<i32>} : memref<800x64xf32, #tpu.memory_space<vmem>>, vector<1x16xf32>,
        %add3A_203 = arith.constant 0 : i32
        %add3A_204 = arith.addi %add3A_203, %scan3A_164 : i32
        %get3A_205 = arith.index_cast %add3A_204 : i32 to index
        %get3A_206 = arith.constant 32 : index
        %get3A_207 = tpu.vector_load %arg8[%get3A_205, %get3A_206] {strides = array<i32>} : memref<800x64xf32, #tpu.memory_space<vmem>>, vector<1x16xf32>,
        %get3A_208 = vector.shape_cast %get3A_207 : vector<1x16xf32> to vector<16xf32>
        %add3A_209 = arith.addf %get3A_208, %get3A_175 : vector<16xf32>
        %swap3A_210 = arith.index_cast %add3A_204 : i32 to index
        %swap3A_211 = arith.constant 32 : index
        %swap3A_212 = tpu.vector_load %arg8[%swap3A_210, %swap3A_211] {strides = array<i32>} : memref<800x64xf32, #tpu.memory_space<vmem>>, vector<1x16xf32>,
        %swap3A_213 = vector.shape_cast %swap3A_212 : vector<1x16xf32> to vector<16xf32>
        %swap3A_214 = vector.shape_cast %add3A_209 : vector<16xf32> to vector<1x16xf32>
        tpu.vector_store %arg8[%swap3A_210, %swap3A_211], %swap3A_214 {strides = array<i32>} : memref<800x64xf32, #tpu.memory_space<vmem>>, vector<1x16xf32>,
        %add3A_215 = arith.constant 0 : i32
        %add3A_216 = arith.addi %add3A_215, %scan3A_164 : i32
        %get3A_217 = arith.index_cast %add3A_216 : i32 to index
        %get3A_218 = arith.constant 48 : index
        %get3A_219 = tpu.vector_load %arg8[%get3A_217, %get3A_218] {strides = array<i32>} : memref<800x64xf32, #tpu.memory_space<vmem>>, vector<1x16xf32>,
        %get3A_220 = vector.shape_cast %get3A_219 : vector<1x16xf32> to vector<16xf32>
        %add3A_221 = arith.addf %get3A_220, %get3A_179 : vector<16xf32>
        %swap3A_222 = arith.index_cast %add3A_216 : i32 to index
        %swap3A_223 = arith.constant 48 : index
        %swap3A_224 = tpu.vector_load %arg8[%swap3A_222, %swap3A_223] {strides = array<i32>} : memref<800x64xf32, #tpu.memory_space<vmem>>, vector<1x16xf32>,
        %swap3A_225 = vector.shape_cast %swap3A_224 : vector<1x16xf32> to vector<16xf32>
        %swap3A_226 = vector.shape_cast %add3A_221 : vector<16xf32> to vector<1x16xf32>
        tpu.vector_store %arg8[%swap3A_222, %swap3A_223], %swap3A_226 {strides = array<i32>} : memref<800x64xf32, #tpu.memory_space<vmem>>, vector<1x16xf32>,
        %add3A_227 = arith.constant 200 : i32
        %add3A_228 = arith.addi %add3A_227, %scan3A_164 : i32
        %get3A_229 = arith.index_cast %add3A_228 : i32 to index
        %get3A_230 = arith.constant 0 : index
        %get3A_231 = tpu.vector_load %arg8[%get3A_229, %get3A_230] {strides = array<i32>} : memref<800x64xf32, #tpu.memory_space<vmem>>, vector<1x16xf32>,
        %get3A_232 = vector.shape_cast %get3A_231 : vector<1x16xf32> to vector<16xf32>
        %add3A_233 = arith.addf %get3A_232, %get3A_167 : vector<16xf32>
        %swap3A_234 = arith.index_cast %add3A_228 : i32 to index
        %swap3A_235 = arith.constant 0 : index
        %swap3A_236 = tpu.vector_load %arg8[%swap3A_234, %swap3A_235] {strides = array<i32>} : memref<800x64xf32, #tpu.memory_space<vmem>>, vector<1x16xf32>,
        %swap3A_237 = vector.shape_cast %swap3A_236 : vector<1x16xf32> to vector<16xf32>
        %swap3A_238 = vector.shape_cast %add3A_233 : vector<16xf32> to vector<1x16xf32>
        tpu.vector_store %arg8[%swap3A_234, %swap3A_235], %swap3A_238 {strides = array<i32>} : memref<800x64xf32, #tpu.memory_space<vmem>>, vector<1x16xf32>,
        %add3A_239 = arith.constant 200 : i32
        %add3A_240 = arith.addi %add3A_239, %scan3A_164 : i32
        %get3A_241 = arith.index_cast %add3A_240 : i32 to index
        %get3A_242 = arith.constant 16 : index
        %get3A_243 = tpu.vector_load %arg8[%get3A_241, %get3A_242] {strides = array<i32>} : memref<800x64xf32, #tpu.memory_space<vmem>>, vector<1x16xf32>,
        %get3A_244 = vector.shape_cast %get3A_243 : vector<1x16xf32> to vector<16xf32>
        %add3A_245 = arith.addf %get3A_244, %get3A_171 : vector<16xf32>
        %swap3A_246 = arith.index_cast %add3A_240 : i32 to index
        %swap3A_247 = arith.constant 16 : index
        %swap3A_248 = tpu.vector_load %arg8[%swap3A_246, %swap3A_247] {strides = array<i32>} : memref<800x64xf32, #tpu.memory_space<vmem>>, vector<1x16xf32>,
        %swap3A_249 = vector.shape_cast %swap3A_248 : vector<1x16xf32> to vector<16xf32>
        %swap3A_250 = vector.shape_cast %add3A_245 : vector<16xf32> to vector<1x16xf32>
        tpu.vector_store %arg8[%swap3A_246, %swap3A_247], %swap3A_250 {strides = array<i32>} : memref<800x64xf32, #tpu.memory_space<vmem>>, vector<1x16xf32>,
        %add3A_251 = arith.constant 200 : i32
        %add3A_252 = arith.addi %add3A_251, %scan3A_164 : i32
        %get3A_253 = arith.index_cast %add3A_252 : i32 to index
        %get3A_254 = arith.constant 32 : index
        %get3A_255 = tpu.vector_load %arg8[%get3A_253, %get3A_254] {strides = array<i32>} : memref<800x64xf32, #tpu.memory_space<vmem>>, vector<1x16xf32>,
        %get3A_256 = vector.shape_cast %get3A_255 : vector<1x16xf32> to vector<16xf32>
        %add3A_257 = arith.addf %get3A_256, %get3A_175 : vector<16xf32>
        %swap3A_258 = arith.index_cast %add3A_252 : i32 to index
        %swap3A_259 = arith.constant 32 : index
        %swap3A_260 = tpu.vector_load %arg8[%swap3A_258, %swap3A_259] {strides = array<i32>} : memref<800x64xf32, #tpu.memory_space<vmem>>, vector<1x16xf32>,
        %swap3A_261 = vector.shape_cast %swap3A_260 : vector<1x16xf32> to vector<16xf32>
        %swap3A_262 = vector.shape_cast %add3A_257 : vector<16xf32> to vector<1x16xf32>
        tpu.vector_store %arg8[%swap3A_258, %swap3A_259], %swap3A_262 {strides = array<i32>} : memref<800x64xf32, #tpu.memory_space<vmem>>, vector<1x16xf32>,
        %add3A_263 = arith.constant 200 : i32
        %add3A_264 = arith.addi %add3A_263, %scan3A_164 : i32
        %get3A_265 = arith.index_cast %add3A_264 : i32 to index
        %get3A_266 = arith.constant 48 : index
        %get3A_267 = tpu.vector_load %arg8[%get3A_265, %get3A_266] {strides = array<i32>} : memref<800x64xf32, #tpu.memory_space<vmem>>, vector<1x16xf32>,
        %get3A_268 = vector.shape_cast %get3A_267 : vector<1x16xf32> to vector<16xf32>
        %add3A_269 = arith.addf %get3A_268, %get3A_179 : vector<16xf32>
        %swap3A_270 = arith.index_cast %add3A_264 : i32 to index
        %swap3A_271 = arith.constant 48 : index
        %swap3A_272 = tpu.vector_load %arg8[%swap3A_270, %swap3A_271] {strides = array<i32>} : memref<800x64xf32, #tpu.memory_space<vmem>>, vector<1x16xf32>,
        %swap3A_273 = vector.shape_cast %swap3A_272 : vector<1x16xf32> to vector<16xf32>
        %swap3A_274 = vector.shape_cast %add3A_269 : vector<16xf32> to vector<1x16xf32>
        tpu.vector_store %arg8[%swap3A_270, %swap3A_271], %swap3A_274 {strides = array<i32>} : memref<800x64xf32, #tpu.memory_space<vmem>>, vector<1x16xf32>,
        %add3A_275 = arith.constant 400 : i32
        %add3A_276 = arith.addi %add3A_275, %scan3A_164 : i32
        %get3A_277 = arith.index_cast %add3A_276 : i32 to index
        %get3A_278 = arith.constant 0 : index
        %get3A_279 = tpu.vector_load %arg8[%get3A_277, %get3A_278] {strides = array<i32>} : memref<800x64xf32, #tpu.memory_space<vmem>>, vector<1x16xf32>,
        %get3A_280 = vector.shape_cast %get3A_279 : vector<1x16xf32> to vector<16xf32>
        %add3A_281 = arith.addf %get3A_280, %get3A_167 : vector<16xf32>
        %swap3A_282 = arith.index_cast %add3A_276 : i32 to index
        %swap3A_283 = arith.constant 0 : index
        %swap3A_284 = tpu.vector_load %arg8[%swap3A_282, %swap3A_283] {strides = array<i32>} : memref<800x64xf32, #tpu.memory_space<vmem>>, vector<1x16xf32>,
        %swap3A_285 = vector.shape_cast %swap3A_284 : vector<1x16xf32> to vector<16xf32>
        %swap3A_286 = vector.shape_cast %add3A_281 : vector<16xf32> to vector<1x16xf32>
        tpu.vector_store %arg8[%swap3A_282, %swap3A_283], %swap3A_286 {strides = array<i32>} : memref<800x64xf32, #tpu.memory_space<vmem>>, vector<1x16xf32>,
        %add3A_287 = arith.constant 400 : i32
        %add3A_288 = arith.addi %add3A_287, %scan3A_164 : i32
        %get3A_289 = arith.index_cast %add3A_288 : i32 to index
        %get3A_290 = arith.constant 16 : index
        %get3A_291 = tpu.vector_load %arg8[%get3A_289, %get3A_290] {strides = array<i32>} : memref<800x64xf32, #tpu.memory_space<vmem>>, vector<1x16xf32>,
        %get3A_292 = vector.shape_cast %get3A_291 : vector<1x16xf32> to vector<16xf32>
        %add3A_293 = arith.addf %get3A_292, %get3A_171 : vector<16xf32>
        %swap3A_294 = arith.index_cast %add3A_288 : i32 to index
        %swap3A_295 = arith.constant 16 : index
        %swap3A_296 = tpu.vector_load %arg8[%swap3A_294, %swap3A_295] {strides = array<i32>} : memref<800x64xf32, #tpu.memory_space<vmem>>, vector<1x16xf32>,
        %swap3A_297 = vector.shape_cast %swap3A_296 : vector<1x16xf32> to vector<16xf32>
        %swap3A_298 = vector.shape_cast %add3A_293 : vector<16xf32> to vector<1x16xf32>
        tpu.vector_store %arg8[%swap3A_294, %swap3A_295], %swap3A_298 {strides = array<i32>} : memref<800x64xf32, #tpu.memory_space<vmem>>, vector<1x16xf32>,
        %add3A_299 = arith.constant 400 : i32
        %add3A_300 = arith.addi %add3A_299, %scan3A_164 : i32
        %get3A_301 = arith.index_cast %add3A_300 : i32 to index
        %get3A_302 = arith.constant 32 : index
        %get3A_303 = tpu.vector_load %arg8[%get3A_301, %get3A_302] {strides = array<i32>} : memref<800x64xf32, #tpu.memory_space<vmem>>, vector<1x16xf32>,
        %get3A_304 = vector.shape_cast %get3A_303 : vector<1x16xf32> to vector<16xf32>
        %add3A_305 = arith.addf %get3A_304, %get3A_175 : vector<16xf32>
        %swap3A_306 = arith.index_cast %add3A_300 : i32 to index
        %swap3A_307 = arith.constant 32 : index
        %swap3A_308 = tpu.vector_load %arg8[%swap3A_306, %swap3A_307] {strides = array<i32>} : memref<800x64xf32, #tpu.memory_space<vmem>>, vector<1x16xf32>,
        %swap3A_309 = vector.shape_cast %swap3A_308 : vector<1x16xf32> to vector<16xf32>
        %swap3A_310 = vector.shape_cast %add3A_305 : vector<16xf32> to vector<1x16xf32>
        tpu.vector_store %arg8[%swap3A_306, %swap3A_307], %swap3A_310 {strides = array<i32>} : memref<800x64xf32, #tpu.memory_space<vmem>>, vector<1x16xf32>,
        %add3A_311 = arith.constant 400 : i32
        %add3A_312 = arith.addi %add3A_311, %scan3A_164 : i32
        %get3A_313 = arith.index_cast %add3A_312 : i32 to index
        %get3A_314 = arith.constant 48 : index
        %get3A_315 = tpu.vector_load %arg8[%get3A_313, %get3A_314] {strides = array<i32>} : memref<800x64xf32, #tpu.memory_space<vmem>>, vector<1x16xf32>,
        %get3A_316 = vector.shape_cast %get3A_315 : vector<1x16xf32> to vector<16xf32>
        %add3A_317 = arith.addf %get3A_316, %get3A_179 : vector<16xf32>
        %swap3A_318 = arith.index_cast %add3A_312 : i32 to index
        %swap3A_319 = arith.constant 48 : index
        %swap3A_320 = tpu.vector_load %arg8[%swap3A_318, %swap3A_319] {strides = array<i32>} : memref<800x64xf32, #tpu.memory_space<vmem>>, vector<1x16xf32>,
        %swap3A_321 = vector.shape_cast %swap3A_320 : vector<1x16xf32> to vector<16xf32>
        %swap3A_322 = vector.shape_cast %add3A_317 : vector<16xf32> to vector<1x16xf32>
        tpu.vector_store %arg8[%swap3A_318, %swap3A_319], %swap3A_322 {strides = array<i32>} : memref<800x64xf32, #tpu.memory_space<vmem>>, vector<1x16xf32>,
        %add3A_323 = arith.constant 600 : i32
        %add3A_324 = arith.addi %add3A_323, %scan3A_164 : i32
        %get3A_325 = arith.index_cast %add3A_324 : i32 to index
        %get3A_326 = arith.constant 0 : index
        %get3A_327 = tpu.vector_load %arg8[%get3A_325, %get3A_326] {strides = array<i32>} : memref<800x64xf32, #tpu.memory_space<vmem>>, vector<1x16xf32>,
        %get3A_328 = vector.shape_cast %get3A_327 : vector<1x16xf32> to vector<16xf32>
        %add3A_329 = arith.addf %get3A_328, %get3A_167 : vector<16xf32>
        %swap3A_330 = arith.index_cast %add3A_324 : i32 to index
        %swap3A_331 = arith.constant 0 : index
        %swap3A_332 = tpu.vector_load %arg8[%swap3A_330, %swap3A_331] {strides = array<i32>} : memref<800x64xf32, #tpu.memory_space<vmem>>, vector<1x16xf32>,
        %swap3A_333 = vector.shape_cast %swap3A_332 : vector<1x16xf32> to vector<16xf32>
        %swap3A_334 = vector.shape_cast %add3A_329 : vector<16xf32> to vector<1x16xf32>
        tpu.vector_store %arg8[%swap3A_330, %swap3A_331], %swap3A_334 {strides = array<i32>} : memref<800x64xf32, #tpu.memory_space<vmem>>, vector<1x16xf32>,
        %add3A_335 = arith.constant 600 : i32
        %add3A_336 = arith.addi %add3A_335, %scan3A_164 : i32
        %get3A_337 = arith.index_cast %add3A_336 : i32 to index
        %get3A_338 = arith.constant 16 : index
        %get3A_339 = tpu.vector_load %arg8[%get3A_337, %get3A_338] {strides = array<i32>} : memref<800x64xf32, #tpu.memory_space<vmem>>, vector<1x16xf32>,
        %get3A_340 = vector.shape_cast %get3A_339 : vector<1x16xf32> to vector<16xf32>
        %add3A_341 = arith.addf %get3A_340, %get3A_171 : vector<16xf32>
        %swap3A_342 = arith.index_cast %add3A_336 : i32 to index
        %swap3A_343 = arith.constant 16 : index
        %swap3A_344 = tpu.vector_load %arg8[%swap3A_342, %swap3A_343] {strides = array<i32>} : memref<800x64xf32, #tpu.memory_space<vmem>>, vector<1x16xf32>,
        %swap3A_345 = vector.shape_cast %swap3A_344 : vector<1x16xf32> to vector<16xf32>
        %swap3A_346 = vector.shape_cast %add3A_341 : vector<16xf32> to vector<1x16xf32>
        tpu.vector_store %arg8[%swap3A_342, %swap3A_343], %swap3A_346 {strides = array<i32>} : memref<800x64xf32, #tpu.memory_space<vmem>>, vector<1x16xf32>,
        %add3A_347 = arith.constant 600 : i32
        %add3A_348 = arith.addi %add3A_347, %scan3A_164 : i32
        %get3A_349 = arith.index_cast %add3A_348 : i32 to index
        %get3A_350 = arith.constant 32 : index
        %get3A_351 = tpu.vector_load %arg8[%get3A_349, %get3A_350] {strides = array<i32>} : memref<800x64xf32, #tpu.memory_space<vmem>>, vector<1x16xf32>,
        %get3A_352 = vector.shape_cast %get3A_351 : vector<1x16xf32> to vector<16xf32>
        %add3A_353 = arith.addf %get3A_352, %get3A_175 : vector<16xf32>
        %swap3A_354 = arith.index_cast %add3A_348 : i32 to index
        %swap3A_355 = arith.constant 32 : index
        %swap3A_356 = tpu.vector_load %arg8[%swap3A_354, %swap3A_355] {strides = array<i32>} : memref<800x64xf32, #tpu.memory_space<vmem>>, vector<1x16xf32>,
        %swap3A_357 = vector.shape_cast %swap3A_356 : vector<1x16xf32> to vector<16xf32>
        %swap3A_358 = vector.shape_cast %add3A_353 : vector<16xf32> to vector<1x16xf32>
        tpu.vector_store %arg8[%swap3A_354, %swap3A_355], %swap3A_358 {strides = array<i32>} : memref<800x64xf32, #tpu.memory_space<vmem>>, vector<1x16xf32>,
        %add3A_359 = arith.constant 600 : i32
        %add3A_360 = arith.addi %add3A_359, %scan3A_164 : i32
        %get3A_361 = arith.index_cast %add3A_360 : i32 to index
        %get3A_362 = arith.constant 48 : index
        %get3A_363 = tpu.vector_load %arg8[%get3A_361, %get3A_362] {strides = array<i32>} : memref<800x64xf32, #tpu.memory_space<vmem>>, vector<1x16xf32>,
        %get3A_364 = vector.shape_cast %get3A_363 : vector<1x16xf32> to vector<16xf32>
        %add3A_365 = arith.addf %get3A_364, %get3A_179 : vector<16xf32>
        %swap3A_366 = arith.index_cast %add3A_360 : i32 to index
        %swap3A_367 = arith.constant 48 : index
        %swap3A_368 = tpu.vector_load %arg8[%swap3A_366, %swap3A_367] {strides = array<i32>} : memref<800x64xf32, #tpu.memory_space<vmem>>, vector<1x16xf32>,
        %swap3A_369 = vector.shape_cast %swap3A_368 : vector<1x16xf32> to vector<16xf32>
        %swap3A_370 = vector.shape_cast %add3A_365 : vector<16xf32> to vector<1x16xf32>
        tpu.vector_store %arg8[%swap3A_366, %swap3A_367], %swap3A_370 {strides = array<i32>} : memref<800x64xf32, #tpu.memory_space<vmem>>, vector<1x16xf32>,
      }
      %scan3A_122 = arith.constant 200 : i32
      %mul3A_123 = arith.constant 32 : i32
      %mul3A_124 = arith.muli %add3A, %mul3A_123 : i32
      %add3A_125 = arith.addi %mul3A_124, %add3A_106 : i32
      %mul3A_126 = arith.constant 800 : i32
      %mul3A_127 = arith.muli %add3A_125, %mul3A_126 : i32
      %dma_start3A_128 = arith.constant 0 : i32
      %dma_start3A_129 = tpu.memref_slice %arg5[%mul3A_127, %dma_start3A_128] : memref<819200x128xf32, #tpu.memory_space<hbm>> -> memref<800x64xf32, #tpu.memory_space<hbm>>
      %dma_start3A_130 = arith.constant 0 : i32
      %dma_start3A_131 = tpu.memref_slice %arg5[%mul3A_127, %dma_start3A_130] : memref<819200x128xf32, #tpu.memory_space<hbm>> -> memref<800x64xf32, #tpu.memory_space<hbm>>
      tpu.enqueue_dma source(%arg8 : memref<800x64xf32, #tpu.memory_space<vmem>>) target(%dma_start3A_131 : memref<800x64xf32, #tpu.memory_space<hbm>>) target_semaphore(%arg13 : memref<!tpu.dma_semaphore, #tpu.memory_space<semaphore_mem>>)
      %mul3A_132 = arith.constant 2 : i32
      %mul3A_133 = arith.muli %mul3A_132, %scan3A_102 : i32
      %add3A_134 = arith.constant 1 : i32
      %add3A_135 = arith.addi %mul3A_133, %add3A_134 : i32
      %add3A_136 = arith.constant 1 : i32
      %add3A_137 = arith.addi %add3A_135, %add3A_136 : i32
      %lt3A_138 = arith.constant 32 : i32
      %lt3A_139 = arith.cmpi slt, %add3A_137, %lt3A_138 : i32
      %convert_element_type3A_140 = arith.extui %lt3A_139 : i1 to i32
      %cond3A_141 = arith.constant 0 : i32
      %cond3A_142 = arith.cmpi ne, %convert_element_type3A_140, %cond3A_141 : i32
      scf.if %cond3A_142 {
        %ge3A = arith.constant 1 : i32
        %ge3A_164 = arith.cmpi sge, %add3A_135, %ge3A : i32
        %convert_element_type3A_165 = arith.extui %ge3A_164 : i1 to i32
        %cond3A_166 = arith.constant 0 : i32
        %cond3A_167 = arith.cmpi ne, %convert_element_type3A_165, %cond3A_166 : i32
        scf.if %cond3A_167 {
          %dma_wait3A_255 = arith.constant 0 : i32
          %dma_wait3A_256 = arith.constant 0 : i32
          %dma_wait3A_257 = tpu.memref_slice %arg3[%dma_wait3A_255, %dma_wait3A_256] : memref<100000x64xf32, #tpu.memory_space<hbm>> -> memref<800x64xf32, #tpu.memory_space<hbm>>
          %dma_wait3A_258 = arith.constant 0 : i32
          %dma_wait3A_259 = arith.constant 0 : i32
          %dma_wait3A_260 = tpu.memref_slice %arg3[%dma_wait3A_258, %dma_wait3A_259] : memref<100000x64xf32, #tpu.memory_space<hbm>> -> memref<800x64xf32, #tpu.memory_space<hbm>>
          tpu.wait_dma2 semaphore(%arg13 : memref<!tpu.dma_semaphore, #tpu.memory_space<semaphore_mem>>) src(%dma_wait3A_260 : memref<800x64xf32, #tpu.memory_space<hbm>>) dst(%arg8 : memref<800x64xf32, #tpu.memory_space<vmem>>)
        } else {
        }
        %add3A_168 = arith.constant 1 : i32
        %add3A_169 = arith.addi %add3A_135, %add3A_168 : i32
        %mul3A_170 = arith.constant 32 : i32
        %mul3A_171 = arith.muli %add3A, %mul3A_170 : i32
        %add3A_172 = arith.addi %mul3A_171, %add3A_169 : i32
        %mul3A_173 = arith.constant 8 : i32
        %mul3A_174 = arith.muli %add3A_172, %mul3A_173 : i32
        "tpu.region"() ({
          %run_scoped3A = tpu.sem_alloc : memref<!tpu.dma_semaphore, #tpu.memory_space<semaphore_mem>>
          %dma_start3A_255 = arith.constant 0 : i32
          %dma_start3A_256 = tpu.memref_slice %arg2[%mul3A_174, %dma_start3A_255] : memref<8192x100xi32, #tpu.memory_space<hbm>> -> memref<8x100xi32, #tpu.memory_space<hbm>>
          %dma_start3A_257 = arith.constant 0 : i32
          %dma_start3A_258 = tpu.memref_slice %arg2[%mul3A_174, %dma_start3A_257] : memref<8192x100xi32, #tpu.memory_space<hbm>> -> memref<8x100xi32, #tpu.memory_space<hbm>>
          tpu.enqueue_dma source(%dma_start3A_258 : memref<8x100xi32, #tpu.memory_space<hbm>>) target(%arg6 : memref<8x100xi32, #tpu.memory_space<vmem>>) target_semaphore(%run_scoped3A : memref<!tpu.dma_semaphore, #tpu.memory_space<semaphore_mem>>)
          %dma_wait3A_259 = arith.constant 0 : i32
          %dma_wait3A_260 = tpu.memref_slice %arg2[%mul3A_174, %dma_wait3A_259] : memref<8192x100xi32, #tpu.memory_space<hbm>> -> memref<8x100xi32, #tpu.memory_space<hbm>>
          %dma_wait3A_261 = arith.constant 0 : i32
          %dma_wait3A_262 = tpu.memref_slice %arg2[%mul3A_174, %dma_wait3A_261] : memref<8192x100xi32, #tpu.memory_space<hbm>> -> memref<8x100xi32, #tpu.memory_space<hbm>>
          tpu.wait_dma2 semaphore(%run_scoped3A : memref<!tpu.dma_semaphore, #tpu.memory_space<semaphore_mem>>) src(%dma_wait3A_262 : memref<8x100xi32, #tpu.memory_space<hbm>>) dst(%arg6 : memref<8x100xi32, #tpu.memory_space<vmem>>)
          tpu.yield
        }) : () -> ()
        %dma_start3A_175 = arith.constant 0 : i32
        %dma_start3A_176 = arith.constant 0 : i32
        %dma_start3A_177 = arith.constant 0 : i32
        %dma_start3A_178 = tpu.memref_slice %arg8[%dma_start3A_176, %dma_start3A_177] : memref<800x64xf32, #tpu.memory_space<vmem>> -> memref<100x64xf32, #tpu.memory_space<vmem>>
        %dma_start3A_179 = arith.constant 0 : i32
        %dma_start3A_180 = tpu.memref_slice %arg6[%dma_start3A_175, %dma_start3A_179] : memref<8x100xi32, #tpu.memory_space<vmem>> -> memref<1x100xi32, #tpu.memory_space<vmem>>
        %dma_start3A_181 = tpu.memref_squeeze %dma_start3A_180 : memref<1x100xi32, #tpu.memory_space<vmem>> -> memref<100xi32, #tpu.memory_space<vmem>>
        %dma_start3A_182 = arith.constant 0 : i32
        %dma_start3A_183 = arith.constant 0 : i32
        %dma_start3A_184 = tpu.memref_slice %arg3[%dma_start3A_182, %dma_start3A_183] : memref<100000x64xf32, #tpu.memory_space<hbm>> -> memref<100000x64xf32, #tpu.memory_space<hbm>>
        tpu.enqueue_indirect_dma source(%dma_start3A_184 : memref<100000x64xf32, #tpu.memory_space<hbm>>) target(%dma_start3A_178 : memref<100x64xf32, #tpu.memory_space<vmem>>) offsets(%dma_start3A_181 : memref<100xi32, #tpu.memory_space<vmem>>) semaphore(%arg11 : memref<!tpu.dma_semaphore, #tpu.memory_space<semaphore_mem>>)
        %dma_start3A_185 = arith.constant 1 : i32
        %dma_start3A_186 = arith.constant 100 : i32
        %dma_start3A_187 = arith.constant 0 : i32
        %dma_start3A_188 = tpu.memref_slice %arg8[%dma_start3A_186, %dma_start3A_187] : memref<800x64xf32, #tpu.memory_space<vmem>> -> memref<100x64xf32, #tpu.memory_space<vmem>>
        %dma_start3A_189 = arith.constant 0 : i32
        %dma_start3A_190 = tpu.memref_slice %arg6[%dma_start3A_185, %dma_start3A_189] : memref<8x100xi32, #tpu.memory_space<vmem>> -> memref<1x100xi32, #tpu.memory_space<vmem>>
        %dma_start3A_191 = tpu.memref_squeeze %dma_start3A_190 : memref<1x100xi32, #tpu.memory_space<vmem>> -> memref<100xi32, #tpu.memory_space<vmem>>
        %dma_start3A_192 = arith.constant 0 : i32
        %dma_start3A_193 = arith.constant 0 : i32
        %dma_start3A_194 = tpu.memref_slice %arg3[%dma_start3A_192, %dma_start3A_193] : memref<100000x64xf32, #tpu.memory_space<hbm>> -> memref<100000x64xf32, #tpu.memory_space<hbm>>
        tpu.enqueue_indirect_dma source(%dma_start3A_194 : memref<100000x64xf32, #tpu.memory_space<hbm>>) target(%dma_start3A_188 : memref<100x64xf32, #tpu.memory_space<vmem>>) offsets(%dma_start3A_191 : memref<100xi32, #tpu.memory_space<vmem>>) semaphore(%arg11 : memref<!tpu.dma_semaphore, #tpu.memory_space<semaphore_mem>>)
        %dma_start3A_195 = arith.constant 2 : i32
        %dma_start3A_196 = arith.constant 200 : i32
        %dma_start3A_197 = arith.constant 0 : i32
        %dma_start3A_198 = tpu.memref_slice %arg8[%dma_start3A_196, %dma_start3A_197] : memref<800x64xf32, #tpu.memory_space<vmem>> -> memref<100x64xf32, #tpu.memory_space<vmem>>
        %dma_start3A_199 = arith.constant 0 : i32
        %dma_start3A_200 = tpu.memref_slice %arg6[%dma_start3A_195, %dma_start3A_199] : memref<8x100xi32, #tpu.memory_space<vmem>> -> memref<1x100xi32, #tpu.memory_space<vmem>>
        %dma_start3A_201 = tpu.memref_squeeze %dma_start3A_200 : memref<1x100xi32, #tpu.memory_space<vmem>> -> memref<100xi32, #tpu.memory_space<vmem>>
        %dma_start3A_202 = arith.constant 0 : i32
        %dma_start3A_203 = arith.constant 0 : i32
        %dma_start3A_204 = tpu.memref_slice %arg3[%dma_start3A_202, %dma_start3A_203] : memref<100000x64xf32, #tpu.memory_space<hbm>> -> memref<100000x64xf32, #tpu.memory_space<hbm>>
        tpu.enqueue_indirect_dma source(%dma_start3A_204 : memref<100000x64xf32, #tpu.memory_space<hbm>>) target(%dma_start3A_198 : memref<100x64xf32, #tpu.memory_space<vmem>>) offsets(%dma_start3A_201 : memref<100xi32, #tpu.memory_space<vmem>>) semaphore(%arg11 : memref<!tpu.dma_semaphore, #tpu.memory_space<semaphore_mem>>)
        %dma_start3A_205 = arith.constant 3 : i32
        %dma_start3A_206 = arith.constant 300 : i32
        %dma_start3A_207 = arith.constant 0 : i32
        %dma_start3A_208 = tpu.memref_slice %arg8[%dma_start3A_206, %dma_start3A_207] : memref<800x64xf32, #tpu.memory_space<vmem>> -> memref<100x64xf32, #tpu.memory_space<vmem>>
        %dma_start3A_209 = arith.constant 0 : i32
        %dma_start3A_210 = tpu.memref_slice %arg6[%dma_start3A_205, %dma_start3A_209] : memref<8x100xi32, #tpu.memory_space<vmem>> -> memref<1x100xi32, #tpu.memory_space<vmem>>
        %dma_start3A_211 = tpu.memref_squeeze %dma_start3A_210 : memref<1x100xi32, #tpu.memory_space<vmem>> -> memref<100xi32, #tpu.memory_space<vmem>>
        %dma_start3A_212 = arith.constant 0 : i32
        %dma_start3A_213 = arith.constant 0 : i32
        %dma_start3A_214 = tpu.memref_slice %arg3[%dma_start3A_212, %dma_start3A_213] : memref<100000x64xf32, #tpu.memory_space<hbm>> -> memref<100000x64xf32, #tpu.memory_space<hbm>>
        tpu.enqueue_indirect_dma source(%dma_start3A_214 : memref<100000x64xf32, #tpu.memory_space<hbm>>) target(%dma_start3A_208 : memref<100x64xf32, #tpu.memory_space<vmem>>) offsets(%dma_start3A_211 : memref<100xi32, #tpu.memory_space<vmem>>) semaphore(%arg11 : memref<!tpu.dma_semaphore, #tpu.memory_space<semaphore_mem>>)
        %dma_start3A_215 = arith.constant 4 : i32
        %dma_start3A_216 = arith.constant 400 : i32
        %dma_start3A_217 = arith.constant 0 : i32
        %dma_start3A_218 = tpu.memref_slice %arg8[%dma_start3A_216, %dma_start3A_217] : memref<800x64xf32, #tpu.memory_space<vmem>> -> memref<100x64xf32, #tpu.memory_space<vmem>>
        %dma_start3A_219 = arith.constant 0 : i32
        %dma_start3A_220 = tpu.memref_slice %arg6[%dma_start3A_215, %dma_start3A_219] : memref<8x100xi32, #tpu.memory_space<vmem>> -> memref<1x100xi32, #tpu.memory_space<vmem>>
        %dma_start3A_221 = tpu.memref_squeeze %dma_start3A_220 : memref<1x100xi32, #tpu.memory_space<vmem>> -> memref<100xi32, #tpu.memory_space<vmem>>
        %dma_start3A_222 = arith.constant 0 : i32
        %dma_start3A_223 = arith.constant 0 : i32
        %dma_start3A_224 = tpu.memref_slice %arg3[%dma_start3A_222, %dma_start3A_223] : memref<100000x64xf32, #tpu.memory_space<hbm>> -> memref<100000x64xf32, #tpu.memory_space<hbm>>
        tpu.enqueue_indirect_dma source(%dma_start3A_224 : memref<100000x64xf32, #tpu.memory_space<hbm>>) target(%dma_start3A_218 : memref<100x64xf32, #tpu.memory_space<vmem>>) offsets(%dma_start3A_221 : memref<100xi32, #tpu.memory_space<vmem>>) semaphore(%arg11 : memref<!tpu.dma_semaphore, #tpu.memory_space<semaphore_mem>>)
        %dma_start3A_225 = arith.constant 5 : i32
        %dma_start3A_226 = arith.constant 500 : i32
        %dma_start3A_227 = arith.constant 0 : i32
        %dma_start3A_228 = tpu.memref_slice %arg8[%dma_start3A_226, %dma_start3A_227] : memref<800x64xf32, #tpu.memory_space<vmem>> -> memref<100x64xf32, #tpu.memory_space<vmem>>
        %dma_start3A_229 = arith.constant 0 : i32
        %dma_start3A_230 = tpu.memref_slice %arg6[%dma_start3A_225, %dma_start3A_229] : memref<8x100xi32, #tpu.memory_space<vmem>> -> memref<1x100xi32, #tpu.memory_space<vmem>>
        %dma_start3A_231 = tpu.memref_squeeze %dma_start3A_230 : memref<1x100xi32, #tpu.memory_space<vmem>> -> memref<100xi32, #tpu.memory_space<vmem>>
        %dma_start3A_232 = arith.constant 0 : i32
        %dma_start3A_233 = arith.constant 0 : i32
        %dma_start3A_234 = tpu.memref_slice %arg3[%dma_start3A_232, %dma_start3A_233] : memref<100000x64xf32, #tpu.memory_space<hbm>> -> memref<100000x64xf32, #tpu.memory_space<hbm>>
        tpu.enqueue_indirect_dma source(%dma_start3A_234 : memref<100000x64xf32, #tpu.memory_space<hbm>>) target(%dma_start3A_228 : memref<100x64xf32, #tpu.memory_space<vmem>>) offsets(%dma_start3A_231 : memref<100xi32, #tpu.memory_space<vmem>>) semaphore(%arg11 : memref<!tpu.dma_semaphore, #tpu.memory_space<semaphore_mem>>)
        %dma_start3A_235 = arith.constant 6 : i32
        %dma_start3A_236 = arith.constant 600 : i32
        %dma_start3A_237 = arith.constant 0 : i32
        %dma_start3A_238 = tpu.memref_slice %arg8[%dma_start3A_236, %dma_start3A_237] : memref<800x64xf32, #tpu.memory_space<vmem>> -> memref<100x64xf32, #tpu.memory_space<vmem>>
        %dma_start3A_239 = arith.constant 0 : i32
        %dma_start3A_240 = tpu.memref_slice %arg6[%dma_start3A_235, %dma_start3A_239] : memref<8x100xi32, #tpu.memory_space<vmem>> -> memref<1x100xi32, #tpu.memory_space<vmem>>
        %dma_start3A_241 = tpu.memref_squeeze %dma_start3A_240 : memref<1x100xi32, #tpu.memory_space<vmem>> -> memref<100xi32, #tpu.memory_space<vmem>>
        %dma_start3A_242 = arith.constant 0 : i32
        %dma_start3A_243 = arith.constant 0 : i32
        %dma_start3A_244 = tpu.memref_slice %arg3[%dma_start3A_242, %dma_start3A_243] : memref<100000x64xf32, #tpu.memory_space<hbm>> -> memref<100000x64xf32, #tpu.memory_space<hbm>>
        tpu.enqueue_indirect_dma source(%dma_start3A_244 : memref<100000x64xf32, #tpu.memory_space<hbm>>) target(%dma_start3A_238 : memref<100x64xf32, #tpu.memory_space<vmem>>) offsets(%dma_start3A_241 : memref<100xi32, #tpu.memory_space<vmem>>) semaphore(%arg11 : memref<!tpu.dma_semaphore, #tpu.memory_space<semaphore_mem>>)
        %dma_start3A_245 = arith.constant 7 : i32
        %dma_start3A_246 = arith.constant 700 : i32
        %dma_start3A_247 = arith.constant 0 : i32
        %dma_start3A_248 = tpu.memref_slice %arg8[%dma_start3A_246, %dma_start3A_247] : memref<800x64xf32, #tpu.memory_space<vmem>> -> memref<100x64xf32, #tpu.memory_space<vmem>>
        %dma_start3A_249 = arith.constant 0 : i32
        %dma_start3A_250 = tpu.memref_slice %arg6[%dma_start3A_245, %dma_start3A_249] : memref<8x100xi32, #tpu.memory_space<vmem>> -> memref<1x100xi32, #tpu.memory_space<vmem>>
        %dma_start3A_251 = tpu.memref_squeeze %dma_start3A_250 : memref<1x100xi32, #tpu.memory_space<vmem>> -> memref<100xi32, #tpu.memory_space<vmem>>
        %dma_start3A_252 = arith.constant 0 : i32
        %dma_start3A_253 = arith.constant 0 : i32
        %dma_start3A_254 = tpu.memref_slice %arg3[%dma_start3A_252, %dma_start3A_253] : memref<100000x64xf32, #tpu.memory_space<hbm>> -> memref<100000x64xf32, #tpu.memory_space<hbm>>
        tpu.enqueue_indirect_dma source(%dma_start3A_254 : memref<100000x64xf32, #tpu.memory_space<hbm>>) target(%dma_start3A_248 : memref<100x64xf32, #tpu.memory_space<vmem>>) offsets(%dma_start3A_251 : memref<100xi32, #tpu.memory_space<vmem>>) semaphore(%arg11 : memref<!tpu.dma_semaphore, #tpu.memory_space<semaphore_mem>>)
      } else {
      }
      %dma_wait3A_143 = arith.constant 0 : i32
      %dma_wait3A_144 = arith.constant 0 : i32
      %dma_wait3A_145 = tpu.memref_slice %arg3[%dma_wait3A_143, %dma_wait3A_144] : memref<100000x64xf32, #tpu.memory_space<hbm>> -> memref<800x64xf32, #tpu.memory_space<hbm>>
      %dma_wait3A_146 = arith.constant 0 : i32
      %dma_wait3A_147 = arith.constant 0 : i32
      %dma_wait3A_148 = tpu.memref_slice %arg3[%dma_wait3A_146, %dma_wait3A_147] : memref<100000x64xf32, #tpu.memory_space<hbm>> -> memref<800x64xf32, #tpu.memory_space<hbm>>
      tpu.wait_dma2 semaphore(%arg12 : memref<!tpu.dma_semaphore, #tpu.memory_space<semaphore_mem>>) src(%dma_wait3A_148 : memref<800x64xf32, #tpu.memory_space<hbm>>) dst(%arg9 : memref<800x64xf32, #tpu.memory_space<vmem>>)
      %scan3A_149 = arith.constant 0 : i32
      %scan3A_150 = arith.constant 0 : i32
      %scan3A_151 = arith.constant 200 : i32
      %scan3A_152 = arith.addi %scan3A_150, %scan3A_151 : i32
      %scan3A_153 = arith.constant 1 : i32
      scf.for %scan3A_164 = %scan3A_150 to %scan3A_152 step %scan3A_153  : i32 {
        %get3A = arith.index_cast %scan3A_164 : i32 to index
        %get3A_165 = arith.constant 0 : index
        %get3A_166 = tpu.vector_load %arg10[%get3A, %get3A_165] {strides = array<i32>} : memref<200x64xf32, #tpu.memory_space<vmem>>, vector<1x16xf32>,
        %get3A_167 = vector.shape_cast %get3A_166 : vector<1x16xf32> to vector<16xf32>
        %get3A_168 = arith.index_cast %scan3A_164 : i32 to index
        %get3A_169 = arith.constant 16 : index
        %get3A_170 = tpu.vector_load %arg10[%get3A_168, %get3A_169] {strides = array<i32>} : memref<200x64xf32, #tpu.memory_space<vmem>>, vector<1x16xf32>,
        %get3A_171 = vector.shape_cast %get3A_170 : vector<1x16xf32> to vector<16xf32>
        %get3A_172 = arith.index_cast %scan3A_164 : i32 to index
        %get3A_173 = arith.constant 32 : index
        %get3A_174 = tpu.vector_load %arg10[%get3A_172, %get3A_173] {strides = array<i32>} : memref<200x64xf32, #tpu.memory_space<vmem>>, vector<1x16xf32>,
        %get3A_175 = vector.shape_cast %get3A_174 : vector<1x16xf32> to vector<16xf32>
        %get3A_176 = arith.index_cast %scan3A_164 : i32 to index
        %get3A_177 = arith.constant 48 : index
        %get3A_178 = tpu.vector_load %arg10[%get3A_176, %get3A_177] {strides = array<i32>} : memref<200x64xf32, #tpu.memory_space<vmem>>, vector<1x16xf32>,
        %get3A_179 = vector.shape_cast %get3A_178 : vector<1x16xf32> to vector<16xf32>
        %add3A_180 = arith.constant 0 : i32
        %add3A_181 = arith.addi %add3A_180, %scan3A_164 : i32
        %get3A_182 = arith.index_cast %add3A_181 : i32 to index
        %get3A_183 = arith.constant 0 : index
        %get3A_184 = tpu.vector_load %arg9[%get3A_182, %get3A_183] {strides = array<i32>} : memref<800x64xf32, #tpu.memory_space<vmem>>, vector<1x16xf32>,
        %get3A_185 = vector.shape_cast %get3A_184 : vector<1x16xf32> to vector<16xf32>
        %add3A_186 = arith.addf %get3A_185, %get3A_167 : vector<16xf32>
        %swap3A = arith.index_cast %add3A_181 : i32 to index
        %swap3A_187 = arith.constant 0 : index
        %swap3A_188 = tpu.vector_load %arg9[%swap3A, %swap3A_187] {strides = array<i32>} : memref<800x64xf32, #tpu.memory_space<vmem>>, vector<1x16xf32>,
        %swap3A_189 = vector.shape_cast %swap3A_188 : vector<1x16xf32> to vector<16xf32>
        %swap3A_190 = vector.shape_cast %add3A_186 : vector<16xf32> to vector<1x16xf32>
        tpu.vector_store %arg9[%swap3A, %swap3A_187], %swap3A_190 {strides = array<i32>} : memref<800x64xf32, #tpu.memory_space<vmem>>, vector<1x16xf32>,
        %add3A_191 = arith.constant 0 : i32
        %add3A_192 = arith.addi %add3A_191, %scan3A_164 : i32
        %get3A_193 = arith.index_cast %add3A_192 : i32 to index
        %get3A_194 = arith.constant 16 : index
        %get3A_195 = tpu.vector_load %arg9[%get3A_193, %get3A_194] {strides = array<i32>} : memref<800x64xf32, #tpu.memory_space<vmem>>, vector<1x16xf32>,
        %get3A_196 = vector.shape_cast %get3A_195 : vector<1x16xf32> to vector<16xf32>
        %add3A_197 = arith.addf %get3A_196, %get3A_171 : vector<16xf32>
        %swap3A_198 = arith.index_cast %add3A_192 : i32 to index
        %swap3A_199 = arith.constant 16 : index
        %swap3A_200 = tpu.vector_load %arg9[%swap3A_198, %swap3A_199] {strides = array<i32>} : memref<800x64xf32, #tpu.memory_space<vmem>>, vector<1x16xf32>,
        %swap3A_201 = vector.shape_cast %swap3A_200 : vector<1x16xf32> to vector<16xf32>
        %swap3A_202 = vector.shape_cast %add3A_197 : vector<16xf32> to vector<1x16xf32>
        tpu.vector_store %arg9[%swap3A_198, %swap3A_199], %swap3A_202 {strides = array<i32>} : memref<800x64xf32, #tpu.memory_space<vmem>>, vector<1x16xf32>,
        %add3A_203 = arith.constant 0 : i32
        %add3A_204 = arith.addi %add3A_203, %scan3A_164 : i32
        %get3A_205 = arith.index_cast %add3A_204 : i32 to index
        %get3A_206 = arith.constant 32 : index
        %get3A_207 = tpu.vector_load %arg9[%get3A_205, %get3A_206] {strides = array<i32>} : memref<800x64xf32, #tpu.memory_space<vmem>>, vector<1x16xf32>,
        %get3A_208 = vector.shape_cast %get3A_207 : vector<1x16xf32> to vector<16xf32>
        %add3A_209 = arith.addf %get3A_208, %get3A_175 : vector<16xf32>
        %swap3A_210 = arith.index_cast %add3A_204 : i32 to index
        %swap3A_211 = arith.constant 32 : index
        %swap3A_212 = tpu.vector_load %arg9[%swap3A_210, %swap3A_211] {strides = array<i32>} : memref<800x64xf32, #tpu.memory_space<vmem>>, vector<1x16xf32>,
        %swap3A_213 = vector.shape_cast %swap3A_212 : vector<1x16xf32> to vector<16xf32>
        %swap3A_214 = vector.shape_cast %add3A_209 : vector<16xf32> to vector<1x16xf32>
        tpu.vector_store %arg9[%swap3A_210, %swap3A_211], %swap3A_214 {strides = array<i32>} : memref<800x64xf32, #tpu.memory_space<vmem>>, vector<1x16xf32>,
        %add3A_215 = arith.constant 0 : i32
        %add3A_216 = arith.addi %add3A_215, %scan3A_164 : i32
        %get3A_217 = arith.index_cast %add3A_216 : i32 to index
        %get3A_218 = arith.constant 48 : index
        %get3A_219 = tpu.vector_load %arg9[%get3A_217, %get3A_218] {strides = array<i32>} : memref<800x64xf32, #tpu.memory_space<vmem>>, vector<1x16xf32>,
        %get3A_220 = vector.shape_cast %get3A_219 : vector<1x16xf32> to vector<16xf32>
        %add3A_221 = arith.addf %get3A_220, %get3A_179 : vector<16xf32>
        %swap3A_222 = arith.index_cast %add3A_216 : i32 to index
        %swap3A_223 = arith.constant 48 : index
        %swap3A_224 = tpu.vector_load %arg9[%swap3A_222, %swap3A_223] {strides = array<i32>} : memref<800x64xf32, #tpu.memory_space<vmem>>, vector<1x16xf32>,
        %swap3A_225 = vector.shape_cast %swap3A_224 : vector<1x16xf32> to vector<16xf32>
        %swap3A_226 = vector.shape_cast %add3A_221 : vector<16xf32> to vector<1x16xf32>
        tpu.vector_store %arg9[%swap3A_222, %swap3A_223], %swap3A_226 {strides = array<i32>} : memref<800x64xf32, #tpu.memory_space<vmem>>, vector<1x16xf32>,
        %add3A_227 = arith.constant 200 : i32
        %add3A_228 = arith.addi %add3A_227, %scan3A_164 : i32
        %get3A_229 = arith.index_cast %add3A_228 : i32 to index
        %get3A_230 = arith.constant 0 : index
        %get3A_231 = tpu.vector_load %arg9[%get3A_229, %get3A_230] {strides = array<i32>} : memref<800x64xf32, #tpu.memory_space<vmem>>, vector<1x16xf32>,
        %get3A_232 = vector.shape_cast %get3A_231 : vector<1x16xf32> to vector<16xf32>
        %add3A_233 = arith.addf %get3A_232, %get3A_167 : vector<16xf32>
        %swap3A_234 = arith.index_cast %add3A_228 : i32 to index
        %swap3A_235 = arith.constant 0 : index
        %swap3A_236 = tpu.vector_load %arg9[%swap3A_234, %swap3A_235] {strides = array<i32>} : memref<800x64xf32, #tpu.memory_space<vmem>>, vector<1x16xf32>,
        %swap3A_237 = vector.shape_cast %swap3A_236 : vector<1x16xf32> to vector<16xf32>
        %swap3A_238 = vector.shape_cast %add3A_233 : vector<16xf32> to vector<1x16xf32>
        tpu.vector_store %arg9[%swap3A_234, %swap3A_235], %swap3A_238 {strides = array<i32>} : memref<800x64xf32, #tpu.memory_space<vmem>>, vector<1x16xf32>,
        %add3A_239 = arith.constant 200 : i32
        %add3A_240 = arith.addi %add3A_239, %scan3A_164 : i32
        %get3A_241 = arith.index_cast %add3A_240 : i32 to index
        %get3A_242 = arith.constant 16 : index
        %get3A_243 = tpu.vector_load %arg9[%get3A_241, %get3A_242] {strides = array<i32>} : memref<800x64xf32, #tpu.memory_space<vmem>>, vector<1x16xf32>,
        %get3A_244 = vector.shape_cast %get3A_243 : vector<1x16xf32> to vector<16xf32>
        %add3A_245 = arith.addf %get3A_244, %get3A_171 : vector<16xf32>
        %swap3A_246 = arith.index_cast %add3A_240 : i32 to index
        %swap3A_247 = arith.constant 16 : index
        %swap3A_248 = tpu.vector_load %arg9[%swap3A_246, %swap3A_247] {strides = array<i32>} : memref<800x64xf32, #tpu.memory_space<vmem>>, vector<1x16xf32>,
        %swap3A_249 = vector.shape_cast %swap3A_248 : vector<1x16xf32> to vector<16xf32>
        %swap3A_250 = vector.shape_cast %add3A_245 : vector<16xf32> to vector<1x16xf32>
        tpu.vector_store %arg9[%swap3A_246, %swap3A_247], %swap3A_250 {strides = array<i32>} : memref<800x64xf32, #tpu.memory_space<vmem>>, vector<1x16xf32>,
        %add3A_251 = arith.constant 200 : i32
        %add3A_252 = arith.addi %add3A_251, %scan3A_164 : i32
        %get3A_253 = arith.index_cast %add3A_252 : i32 to index
        %get3A_254 = arith.constant 32 : index
        %get3A_255 = tpu.vector_load %arg9[%get3A_253, %get3A_254] {strides = array<i32>} : memref<800x64xf32, #tpu.memory_space<vmem>>, vector<1x16xf32>,
        %get3A_256 = vector.shape_cast %get3A_255 : vector<1x16xf32> to vector<16xf32>
        %add3A_257 = arith.addf %get3A_256, %get3A_175 : vector<16xf32>
        %swap3A_258 = arith.index_cast %add3A_252 : i32 to index
        %swap3A_259 = arith.constant 32 : index
        %swap3A_260 = tpu.vector_load %arg9[%swap3A_258, %swap3A_259] {strides = array<i32>} : memref<800x64xf32, #tpu.memory_space<vmem>>, vector<1x16xf32>,
        %swap3A_261 = vector.shape_cast %swap3A_260 : vector<1x16xf32> to vector<16xf32>
        %swap3A_262 = vector.shape_cast %add3A_257 : vector<16xf32> to vector<1x16xf32>
        tpu.vector_store %arg9[%swap3A_258, %swap3A_259], %swap3A_262 {strides = array<i32>} : memref<800x64xf32, #tpu.memory_space<vmem>>, vector<1x16xf32>,
        %add3A_263 = arith.constant 200 : i32
        %add3A_264 = arith.addi %add3A_263, %scan3A_164 : i32
        %get3A_265 = arith.index_cast %add3A_264 : i32 to index
        %get3A_266 = arith.constant 48 : index
        %get3A_267 = tpu.vector_load %arg9[%get3A_265, %get3A_266] {strides = array<i32>} : memref<800x64xf32, #tpu.memory_space<vmem>>, vector<1x16xf32>,
        %get3A_268 = vector.shape_cast %get3A_267 : vector<1x16xf32> to vector<16xf32>
        %add3A_269 = arith.addf %get3A_268, %get3A_179 : vector<16xf32>
        %swap3A_270 = arith.index_cast %add3A_264 : i32 to index
        %swap3A_271 = arith.constant 48 : index
        %swap3A_272 = tpu.vector_load %arg9[%swap3A_270, %swap3A_271] {strides = array<i32>} : memref<800x64xf32, #tpu.memory_space<vmem>>, vector<1x16xf32>,
        %swap3A_273 = vector.shape_cast %swap3A_272 : vector<1x16xf32> to vector<16xf32>
        %swap3A_274 = vector.shape_cast %add3A_269 : vector<16xf32> to vector<1x16xf32>
        tpu.vector_store %arg9[%swap3A_270, %swap3A_271], %swap3A_274 {strides = array<i32>} : memref<800x64xf32, #tpu.memory_space<vmem>>, vector<1x16xf32>,
        %add3A_275 = arith.constant 400 : i32
        %add3A_276 = arith.addi %add3A_275, %scan3A_164 : i32
        %get3A_277 = arith.index_cast %add3A_276 : i32 to index
        %get3A_278 = arith.constant 0 : index
        %get3A_279 = tpu.vector_load %arg9[%get3A_277, %get3A_278] {strides = array<i32>} : memref<800x64xf32, #tpu.memory_space<vmem>>, vector<1x16xf32>,
        %get3A_280 = vector.shape_cast %get3A_279 : vector<1x16xf32> to vector<16xf32>
        %add3A_281 = arith.addf %get3A_280, %get3A_167 : vector<16xf32>
        %swap3A_282 = arith.index_cast %add3A_276 : i32 to index
        %swap3A_283 = arith.constant 0 : index
        %swap3A_284 = tpu.vector_load %arg9[%swap3A_282, %swap3A_283] {strides = array<i32>} : memref<800x64xf32, #tpu.memory_space<vmem>>, vector<1x16xf32>,
        %swap3A_285 = vector.shape_cast %swap3A_284 : vector<1x16xf32> to vector<16xf32>
        %swap3A_286 = vector.shape_cast %add3A_281 : vector<16xf32> to vector<1x16xf32>
        tpu.vector_store %arg9[%swap3A_282, %swap3A_283], %swap3A_286 {strides = array<i32>} : memref<800x64xf32, #tpu.memory_space<vmem>>, vector<1x16xf32>,
        %add3A_287 = arith.constant 400 : i32
        %add3A_288 = arith.addi %add3A_287, %scan3A_164 : i32
        %get3A_289 = arith.index_cast %add3A_288 : i32 to index
        %get3A_290 = arith.constant 16 : index
        %get3A_291 = tpu.vector_load %arg9[%get3A_289, %get3A_290] {strides = array<i32>} : memref<800x64xf32, #tpu.memory_space<vmem>>, vector<1x16xf32>,
        %get3A_292 = vector.shape_cast %get3A_291 : vector<1x16xf32> to vector<16xf32>
        %add3A_293 = arith.addf %get3A_292, %get3A_171 : vector<16xf32>
        %swap3A_294 = arith.index_cast %add3A_288 : i32 to index
        %swap3A_295 = arith.constant 16 : index
        %swap3A_296 = tpu.vector_load %arg9[%swap3A_294, %swap3A_295] {strides = array<i32>} : memref<800x64xf32, #tpu.memory_space<vmem>>, vector<1x16xf32>,
        %swap3A_297 = vector.shape_cast %swap3A_296 : vector<1x16xf32> to vector<16xf32>
        %swap3A_298 = vector.shape_cast %add3A_293 : vector<16xf32> to vector<1x16xf32>
        tpu.vector_store %arg9[%swap3A_294, %swap3A_295], %swap3A_298 {strides = array<i32>} : memref<800x64xf32, #tpu.memory_space<vmem>>, vector<1x16xf32>,
        %add3A_299 = arith.constant 400 : i32
        %add3A_300 = arith.addi %add3A_299, %scan3A_164 : i32
        %get3A_301 = arith.index_cast %add3A_300 : i32 to index
        %get3A_302 = arith.constant 32 : index
        %get3A_303 = tpu.vector_load %arg9[%get3A_301, %get3A_302] {strides = array<i32>} : memref<800x64xf32, #tpu.memory_space<vmem>>, vector<1x16xf32>,
        %get3A_304 = vector.shape_cast %get3A_303 : vector<1x16xf32> to vector<16xf32>
        %add3A_305 = arith.addf %get3A_304, %get3A_175 : vector<16xf32>
        %swap3A_306 = arith.index_cast %add3A_300 : i32 to index
        %swap3A_307 = arith.constant 32 : index
        %swap3A_308 = tpu.vector_load %arg9[%swap3A_306, %swap3A_307] {strides = array<i32>} : memref<800x64xf32, #tpu.memory_space<vmem>>, vector<1x16xf32>,
        %swap3A_309 = vector.shape_cast %swap3A_308 : vector<1x16xf32> to vector<16xf32>
        %swap3A_310 = vector.shape_cast %add3A_305 : vector<16xf32> to vector<1x16xf32>
        tpu.vector_store %arg9[%swap3A_306, %swap3A_307], %swap3A_310 {strides = array<i32>} : memref<800x64xf32, #tpu.memory_space<vmem>>, vector<1x16xf32>,
        %add3A_311 = arith.constant 400 : i32
        %add3A_312 = arith.addi %add3A_311, %scan3A_164 : i32
        %get3A_313 = arith.index_cast %add3A_312 : i32 to index
        %get3A_314 = arith.constant 48 : index
        %get3A_315 = tpu.vector_load %arg9[%get3A_313, %get3A_314] {strides = array<i32>} : memref<800x64xf32, #tpu.memory_space<vmem>>, vector<1x16xf32>,
        %get3A_316 = vector.shape_cast %get3A_315 : vector<1x16xf32> to vector<16xf32>
        %add3A_317 = arith.addf %get3A_316, %get3A_179 : vector<16xf32>
        %swap3A_318 = arith.index_cast %add3A_312 : i32 to index
        %swap3A_319 = arith.constant 48 : index
        %swap3A_320 = tpu.vector_load %arg9[%swap3A_318, %swap3A_319] {strides = array<i32>} : memref<800x64xf32, #tpu.memory_space<vmem>>, vector<1x16xf32>,
        %swap3A_321 = vector.shape_cast %swap3A_320 : vector<1x16xf32> to vector<16xf32>
        %swap3A_322 = vector.shape_cast %add3A_317 : vector<16xf32> to vector<1x16xf32>
        tpu.vector_store %arg9[%swap3A_318, %swap3A_319], %swap3A_322 {strides = array<i32>} : memref<800x64xf32, #tpu.memory_space<vmem>>, vector<1x16xf32>,
        %add3A_323 = arith.constant 600 : i32
        %add3A_324 = arith.addi %add3A_323, %scan3A_164 : i32
        %get3A_325 = arith.index_cast %add3A_324 : i32 to index
        %get3A_326 = arith.constant 0 : index
        %get3A_327 = tpu.vector_load %arg9[%get3A_325, %get3A_326] {strides = array<i32>} : memref<800x64xf32, #tpu.memory_space<vmem>>, vector<1x16xf32>,
        %get3A_328 = vector.shape_cast %get3A_327 : vector<1x16xf32> to vector<16xf32>
        %add3A_329 = arith.addf %get3A_328, %get3A_167 : vector<16xf32>
        %swap3A_330 = arith.index_cast %add3A_324 : i32 to index
        %swap3A_331 = arith.constant 0 : index
        %swap3A_332 = tpu.vector_load %arg9[%swap3A_330, %swap3A_331] {strides = array<i32>} : memref<800x64xf32, #tpu.memory_space<vmem>>, vector<1x16xf32>,
        %swap3A_333 = vector.shape_cast %swap3A_332 : vector<1x16xf32> to vector<16xf32>
        %swap3A_334 = vector.shape_cast %add3A_329 : vector<16xf32> to vector<1x16xf32>
        tpu.vector_store %arg9[%swap3A_330, %swap3A_331], %swap3A_334 {strides = array<i32>} : memref<800x64xf32, #tpu.memory_space<vmem>>, vector<1x16xf32>,
        %add3A_335 = arith.constant 600 : i32
        %add3A_336 = arith.addi %add3A_335, %scan3A_164 : i32
        %get3A_337 = arith.index_cast %add3A_336 : i32 to index
        %get3A_338 = arith.constant 16 : index
        %get3A_339 = tpu.vector_load %arg9[%get3A_337, %get3A_338] {strides = array<i32>} : memref<800x64xf32, #tpu.memory_space<vmem>>, vector<1x16xf32>,
        %get3A_340 = vector.shape_cast %get3A_339 : vector<1x16xf32> to vector<16xf32>
        %add3A_341 = arith.addf %get3A_340, %get3A_171 : vector<16xf32>
        %swap3A_342 = arith.index_cast %add3A_336 : i32 to index
        %swap3A_343 = arith.constant 16 : index
        %swap3A_344 = tpu.vector_load %arg9[%swap3A_342, %swap3A_343] {strides = array<i32>} : memref<800x64xf32, #tpu.memory_space<vmem>>, vector<1x16xf32>,
        %swap3A_345 = vector.shape_cast %swap3A_344 : vector<1x16xf32> to vector<16xf32>
        %swap3A_346 = vector.shape_cast %add3A_341 : vector<16xf32> to vector<1x16xf32>
        tpu.vector_store %arg9[%swap3A_342, %swap3A_343], %swap3A_346 {strides = array<i32>} : memref<800x64xf32, #tpu.memory_space<vmem>>, vector<1x16xf32>,
        %add3A_347 = arith.constant 600 : i32
        %add3A_348 = arith.addi %add3A_347, %scan3A_164 : i32
        %get3A_349 = arith.index_cast %add3A_348 : i32 to index
        %get3A_350 = arith.constant 32 : index
        %get3A_351 = tpu.vector_load %arg9[%get3A_349, %get3A_350] {strides = array<i32>} : memref<800x64xf32, #tpu.memory_space<vmem>>, vector<1x16xf32>,
        %get3A_352 = vector.shape_cast %get3A_351 : vector<1x16xf32> to vector<16xf32>
        %add3A_353 = arith.addf %get3A_352, %get3A_175 : vector<16xf32>
        %swap3A_354 = arith.index_cast %add3A_348 : i32 to index
        %swap3A_355 = arith.constant 32 : index
        %swap3A_356 = tpu.vector_load %arg9[%swap3A_354, %swap3A_355] {strides = array<i32>} : memref<800x64xf32, #tpu.memory_space<vmem>>, vector<1x16xf32>,
        %swap3A_357 = vector.shape_cast %swap3A_356 : vector<1x16xf32> to vector<16xf32>
        %swap3A_358 = vector.shape_cast %add3A_353 : vector<16xf32> to vector<1x16xf32>
        tpu.vector_store %arg9[%swap3A_354, %swap3A_355], %swap3A_358 {strides = array<i32>} : memref<800x64xf32, #tpu.memory_space<vmem>>, vector<1x16xf32>,
        %add3A_359 = arith.constant 600 : i32
        %add3A_360 = arith.addi %add3A_359, %scan3A_164 : i32
        %get3A_361 = arith.index_cast %add3A_360 : i32 to index
        %get3A_362 = arith.constant 48 : index
        %get3A_363 = tpu.vector_load %arg9[%get3A_361, %get3A_362] {strides = array<i32>} : memref<800x64xf32, #tpu.memory_space<vmem>>, vector<1x16xf32>,
        %get3A_364 = vector.shape_cast %get3A_363 : vector<1x16xf32> to vector<16xf32>
        %add3A_365 = arith.addf %get3A_364, %get3A_179 : vector<16xf32>
        %swap3A_366 = arith.index_cast %add3A_360 : i32 to index
        %swap3A_367 = arith.constant 48 : index
        %swap3A_368 = tpu.vector_load %arg9[%swap3A_366, %swap3A_367] {strides = array<i32>} : memref<800x64xf32, #tpu.memory_space<vmem>>, vector<1x16xf32>,
        %swap3A_369 = vector.shape_cast %swap3A_368 : vector<1x16xf32> to vector<16xf32>
        %swap3A_370 = vector.shape_cast %add3A_365 : vector<16xf32> to vector<1x16xf32>
        tpu.vector_store %arg9[%swap3A_366, %swap3A_367], %swap3A_370 {strides = array<i32>} : memref<800x64xf32, #tpu.memory_space<vmem>>, vector<1x16xf32>,
      }
      %scan3A_154 = arith.constant 200 : i32
      %mul3A_155 = arith.constant 32 : i32
      %mul3A_156 = arith.muli %add3A, %mul3A_155 : i32
      %add3A_157 = arith.addi %mul3A_156, %add3A_135 : i32
      %mul3A_158 = arith.constant 800 : i32
      %mul3A_159 = arith.muli %add3A_157, %mul3A_158 : i32
      %dma_start3A_160 = arith.constant 0 : i32
      %dma_start3A_161 = tpu.memref_slice %arg5[%mul3A_159, %dma_start3A_160] : memref<819200x128xf32, #tpu.memory_space<hbm>> -> memref<800x64xf32, #tpu.memory_space<hbm>>
      %dma_start3A_162 = arith.constant 0 : i32
      %dma_start3A_163 = tpu.memref_slice %arg5[%mul3A_159, %dma_start3A_162] : memref<819200x128xf32, #tpu.memory_space<hbm>> -> memref<800x64xf32, #tpu.memory_space<hbm>>
      tpu.enqueue_dma source(%arg9 : memref<800x64xf32, #tpu.memory_space<vmem>>) target(%dma_start3A_163 : memref<800x64xf32, #tpu.memory_space<hbm>>) target_semaphore(%arg14 : memref<!tpu.dma_semaphore, #tpu.memory_space<semaphore_mem>>)
    }
    %scan3A_90 = arith.constant 16 : i32
    %dma_wait3A = arith.constant 0 : i32
    %dma_wait3A_91 = arith.constant 0 : i32
    %dma_wait3A_92 = tpu.memref_slice %arg3[%dma_wait3A, %dma_wait3A_91] : memref<100000x64xf32, #tpu.memory_space<hbm>> -> memref<800x64xf32, #tpu.memory_space<hbm>>
    %dma_wait3A_93 = arith.constant 0 : i32
    %dma_wait3A_94 = arith.constant 0 : i32
    %dma_wait3A_95 = tpu.memref_slice %arg3[%dma_wait3A_93, %dma_wait3A_94] : memref<100000x64xf32, #tpu.memory_space<hbm>> -> memref<800x64xf32, #tpu.memory_space<hbm>>
    tpu.wait_dma2 semaphore(%arg13 : memref<!tpu.dma_semaphore, #tpu.memory_space<semaphore_mem>>) src(%dma_wait3A_95 : memref<800x64xf32, #tpu.memory_space<hbm>>) dst(%arg8 : memref<800x64xf32, #tpu.memory_space<vmem>>)
    %dma_wait3A_96 = arith.constant 0 : i32
    %dma_wait3A_97 = arith.constant 0 : i32
    %dma_wait3A_98 = tpu.memref_slice %arg3[%dma_wait3A_96, %dma_wait3A_97] : memref<100000x64xf32, #tpu.memory_space<hbm>> -> memref<800x64xf32, #tpu.memory_space<hbm>>
    %dma_wait3A_99 = arith.constant 0 : i32
    %dma_wait3A_100 = arith.constant 0 : i32
    %dma_wait3A_101 = tpu.memref_slice %arg3[%dma_wait3A_99, %dma_wait3A_100] : memref<100000x64xf32, #tpu.memory_space<hbm>> -> memref<800x64xf32, #tpu.memory_space<hbm>>
    tpu.wait_dma2 semaphore(%arg14 : memref<!tpu.dma_semaphore, #tpu.memory_space<semaphore_mem>>) src(%dma_wait3A_101 : memref<800x64xf32, #tpu.memory_space<hbm>>) dst(%arg9 : memref<800x64xf32, #tpu.memory_space<vmem>>)
    return
  }
}

</mosaic_0001>

<sc_bundles>
// kernel: kernel.3.cloned.1.call-start
scs
__scs_entry_jumppad:
0x0: {  	(pc) =	sbr.rel $0x88, $3  }
0x1: {  	(tag) =	ssettag $0x0;
	lr =	simm.s32 $0x1  }
0x2: {  	[smem:$0x3F9E] =	sst lr;
	_ =	strace $0xD0000000  }
0x3: {  	_ = 	snop  }
0x4: {  	_ = 	snop  }
0x5: {  	_ = 	snop  }
0x6: {  	_ = 	snop  }
0x7: {  	_ = 	snop  }
__scs_overlays_trampoline_lowered:
0x8: {  	[smem:$0x3FAD] =	sst s0  }
0x9: {  	[smem:$0x3FAE] =	sst s1  }
0xa: {  	[smem:$0x3FAF] =	sst s2  }
0xb: {  	[smem:$0x3FB0] =	sst s3  }
0xc: {  	[smem:$0x3FB1] =	sst s4  }
0xd: {  	[smem:$0x3FB2] =	sst s5  }
0xe: {  	[smem:$0x3FB3] =	sst s6  }
0xf: {  	[smem:$0x3FB4] =	sst s7  }
0x10: {  	[smem:$0x3FB5] =	sst s8  }
0x11: {  	[smem:$0x3FB6] =	sst s9;
	s0 =	simm.s32 @!p0 $0x0  }
0x12: {  	s1 =	sld [smem:$0x3F9C];
	s0 =	simm.s32 @p0 $0x1  }
0x13: {  	[smem:$0x3FB7] =	sst s0;
	s0 =	simm.s32 @!p1 $0x0  }
0x14: {  	s2 =	sld [smem:$0x3F9B];
	s0 =	simm.s32 @p1 $0x1  }
0x15: {  	[smem:$0x3FB8] =	sst s0;
	s0 =	simm.s32 @!p2 $0x0  }
0x16: {  	s3 =	sld [smem:$0x3FDB];
	s0 =	simm.s32 @p2 $0x1  }
0x17: {  	s4 =	simm.s32 $0x1BF5;
	[smem:$0x3FBA] =	sst s0  }
0x18: {  	s0 =	sld [smem:$0x3F9D];
	_ =	swait.ge [sflag:s4], $0x0  }
0x19: {  	s7 =	sld [smem:$0x3F9E]  }
0x1a: {  	s8 =	sadd.s32 $0xFFFFE003, lr  }
0x1b: {  	s9 =	sadd.s32 $0xFFFFFEF7, lr;
	s5 =	simm.s32 $0xFFFFFFFF;
	p2 =	slt.u32 s8, $0xFFFFF086  }
0x1c: {  	p1 =	slt.u32 s9, $0xF7A;
	s5 =	simm.s32 @!p2 $0x0  }
0x1d: {  	s5 =	simm.s32 @p1 $0x1;
	p0 =	seq.s32 s7, s2  }
0x1e: {  	s7 =	smul.u32 @!p0 $0xF7A, s2;
	p2 =	seq.s32 @!p0 s5, $0x0  }
0x1f: {  	s9 =	smul.u32 $0xF7A, s1;
	s8 =	simm.s32 @!p0 $0x1BF5;
	p2 =	por !p2, p0  }
0x20: {  	[sflag:s8] =	ssyncset.s32 @!p0 $0xFFFFF086;
	s6 =	sadd.s32 @!p0 s3, s7;
	s7 =	simm.s32 @!p0 $0x108  }
0x21: {  	s3 =	sadd.s32 s3, s9;
	s6 =	sadd.s32 @!p0 $0x88, s6;
	s7 =	simm.s32 @p2 $0x1082  }
0x22: {  	[simem:s7], [sflag:s8] =	dma.local @!p0 [hbm:s6], $0xF7A  }
0x23: {  	s9 =	sor.u32 $0xD0000000, s2;
	s6 =	simm.s32 $0x108;
	_ =	swait.ge @!p0 [sflag:s8], $0x0  }
0x24: {  	s3 =	sadd.s32 $0x88, s3;
	s6 =	simm.s32 @!p1 $0x1082;
	[sflag:s4] =	ssyncset.s32 $0xFFFFF086  }
0x25: {  	[simem:s6], [sflag:s4] =	dma.local [hbm:s3], $0xF7A  }
0x26: {  	[smem:$0x3F9E] =	sst s1;
	(tag) =	ssettag s2;
	_ =	strace s9  }
0x27: {  	s1 =	sld [smem:$0x3FAE]  }
0x28: {  	s2 =	sld [smem:$0x3FAF]  }
0x29: {  	s4 =	sld [smem:$0x3FB1]  }
0x2a: {  	p0 =	seq.s32 s5, $0x0;
	s5 =	sld [smem:$0x3FB2]  }
0x2b: {  	s6 =	sld [smem:$0x3FB3]  }
0x2c: {  	s7 =	sld [smem:$0x3FB4]  }
0x2d: {  	s3 =	simm.s32 $0x108;
	s8 =	sld [smem:$0x3FB5]  }
0x2e: {  	s3 =	simm.s32 @!p0 $0x1082;
	s9 =	sld [smem:$0x3FB6]  }
0x2f: {  	lr =	sadd.s32 s0, s3;
	s0 =	sld [smem:$0x3FAD]  }
0x30: {  	s3 =	sld [smem:$0x3FB0]  }
0x31: {  	[smem:$0x3FB9] =	sst s10  }
0x32: {  	s10 =	sld [smem:$0x3FB7];
	_ =	sdelay $0x3  }
0x33: {  	p0 =	seq.s32 s10, $0x1;
	s10 =	sld [smem:$0x3FB9];
	_ =	sdelay $0x3  }
0x34: {  	[smem:$0x3FB9] =	sst s10  }
0x35: {  	s10 =	sld [smem:$0x3FB8];
	_ =	sdelay $0x3  }
0x36: {  	p1 =	seq.s32 s10, $0x1;
	s10 =	sld [smem:$0x3FB9];
	_ =	sdelay $0x3  }
0x37: {  	[smem:$0x3FB9] =	sst s10  }
0x38: {  	s10 =	sld [smem:$0x3FBA]  }
0x39: {  	_ = 	snop;
	(pc) =	sbr.ind lr, $3  }
0x3a: {  	_ = 	snop  }
0x3b: {  	_ = 	snop  }
0x3c: {  	p2 =	seq.s32 s10, $0x1;
	s10 =	sld [smem:$0x3FB9]  }
0x3d: {  	_ =	shalt  }
0x3e: {  	_ =	shalt  }
0x3f: {  	_ =	shalt  }
0x40: {  	_ =	shalt  }
0x41: {  	_ =	shalt  }
0x42: {  	_ =	shalt  }
0x43: {  	_ =	shalt  }
0x44: {  	_ =	shalt  }
0x45: {  	_ =	shalt  }
0x46: {  	_ =	shalt  }
0x47: {  	_ =	shalt  }
0x48: {  	_ =	shalt  }
0x49: {  	_ =	shalt  }
0x4a: {  	_ =	shalt  }
0x4b: {  	_ =	shalt  }
0x4c: {  	_ =	shalt  }
0x4d: {  	_ =	shalt  }
0x4e: {  	_ =	shalt  }
0x4f: {  	_ =	shalt  }
0x50: {  	_ =	shalt  }
0x51: {  	_ =	shalt  }
0x52: {  	_ =	shalt  }
0x53: {  	_ =	shalt  }
0x54: {  	_ =	shalt  }
0x55: {  	_ =	shalt  }
0x56: {  	_ =	shalt  }
0x57: {  	_ =	shalt  }
0x58: {  	_ =	shalt  }
0x59: {  	_ =	shalt  }
0x5a: {  	_ =	shalt  }
0x5b: {  	_ =	shalt  }
0x5c: {  	_ =	shalt  }
0x5d: {  	_ =	shalt  }
0x5e: {  	_ =	shalt  }
0x5f: {  	_ =	shalt  }
0x60: {  	_ =	shalt  }
0x61: {  	_ =	shalt  }
0x62: {  	_ =	shalt  }
0x63: {  	_ =	shalt  }
0x64: {  	_ =	shalt  }
0x65: {  	_ =	shalt  }
0x66: {  	_ =	shalt  }
0x67: {  	_ =	shalt  }
0x68: {  	_ =	shalt  }
0x69: {  	_ =	shalt  }
0x6a: {  	_ =	shalt  }
0x6b: {  	_ =	shalt  }
0x6c: {  	_ =	shalt  }
0x6d: {  	_ =	shalt  }
0x6e: {  	_ =	shalt  }
0x6f: {  	_ =	shalt  }
0x70: {  	_ =	shalt  }
0x71: {  	_ =	shalt  }
0x72: {  	_ =	shalt  }
0x73: {  	_ =	shalt  }
0x74: {  	_ =	shalt  }
0x75: {  	_ =	shalt  }
0x76: {  	_ =	shalt  }
0x77: {  	_ =	shalt  }
0x78: {  	_ =	shalt  }
0x79: {  	_ =	shalt  }
0x7a: {  	_ =	shalt  }
0x7b: {  	_ =	shalt  }
0x7c: {  	_ =	shalt  }
0x7d: {  	_ =	shalt  }
0x7e: {  	_ =	shalt  }
0x7f: {  	_ =	shalt  }
0x80: {  	_ =	shalt  }
0x81: {  	_ =	shalt  }
0x82: {  	_ =	shalt  }
0x83: {  	_ =	shalt  }
0x84: {  	_ =	shalt  }
0x85: {  	_ =	shalt  }
0x86: {  	_ =	shalt  }
0x87: {  	_ =	shalt  }
.Lfunc_end0:
.L_simem_size_0:
called_computation.1_lowered:
.L_overlay_start_0:
0x88: {  	s2 =	sld [smem:$0x3FD9]  }
0x89: {  	s3 =	sld [smem:$0x3FFE];
	_ =	sdelay $0x1  }
0x8a: {  	s1 =	srdreg.scid  }
0x8b: {  	s0 =	sand.u32 $0x1, s1  }
0x8c: {  	s16 =	sshll.u32 s0, $0xA;
	s2 =	sadd.s32 s3, s2  }
0x8d: {  	s2 =	sadd.s32 s2, s16  }
0x8e: {  	[smem:$0x3FC5] =	sst s2  }
0x8f: {  	_ = 	snop  }
0x90: {  	(tm) =	ssettm $0x1  }
0x91: {  	s17 =	sld [smem:$0x3FFB];
	_ =	sdelay $0x3  }
0x92: {  	_ =	strace s17  }
0x93: {  	s2 =	sld [smem:$0x3FFC];
	_ =	sdelay $0x3  }
0x94: {  	_ =	strace s2  }
0x95: {  	s2 =	sld [smem:$0x3FFD];
	_ =	sdelay $0x3  }
0x96: {  	_ =	strace s2  }
0x97: {  	_ =	strace $0x8FFFFFFF  }
0x98: {  	s18 =	sld [smem:$0x3FDB];
	_ =	sdelay $0x1  }
0x99: {  	s19 =	simm.s32 $_scs_section_size  }
0x9a: {  	s4 =	simm.s32 $_size__tile_overlayer_lowered;
	s5 =	simm.s32 $_tile_overlayer_lowered  }
0x9b: {  	s22 =	simm.s32 $0x1BFF;
	s21 =	sshll.u32 s5, $0x1;
	s2 =	sadd.s32 s19, s18  }
0x9c: {  	s6 =	simm.s32 $0x0;
	s20 =	sshll.u32 s4, $0x1;
	s4 =	sadd.s32 s21, s2  }
0x9d: {  	[timem:s6], [sflag:s22] =	dma.local [hbm:s4], s20  }
0x9e: {  	_ =	swait.ge [sflag:s22], s20  }
0x9f: {  	s3 =	ssub.s32 $0x0, s20;
	[sflag:s22] =	ssyncset.done $0x0  }
0xa0: {  	[sflag:s22] =	ssyncadd.s32 s3;
	_ =	sdelay $0x1  }
0xa1: {  	s23 =	simm.s32 $0x1B8B  }
0xa2: {  	_ =	swait.ge [sflag:s23], $0x1  }
0xa3: {  	[sflag:s23] =	ssyncset.done $0x0  }
0xa4: {  	s25 =	simm.s32 $0x1B8E;
	s24 =	sld [smem:$0x3FFE];
	[sflag:s23] =	ssyncadd.s32 $0xFFFFFFFF  }
0xa5: {  	s26 =	simm.s32 $execute0_lowered;
	[smem:$0x3FD2] =	sst s25  }
0xa6: {  	s4 =	sshll.u32 s26, $0x1;
	_ =	strace $0x80000046;
	[dreg:$0x1] =	wrdreg $0xFFFFFFFF  }
0xa7: {  	s28 =	simm.s32 $_size_execute0_lowered;
	s2 =	sadd.s32 s2, s4;
	[dreg:$0x0] =	wrdreg $0x0  }
0xa8: {  	s4 =	sshll.u32 s28, $0x1;
	[dreg:$0x2] =	wrdreg s2  }
0xa9: {  	[dreg:$0x3] =	wrdreg s4  }
0xaa: {  	[dreg:$0x4] =	wrdreg $0xC0  }
0xab: {  	_ =	task [dreg:s6], $0x5FFFF  }
0xac: {  	[dreg:$0x1] =	wrdreg $0xFFFFFFFF  }
0xad: {  	[dreg:$0x0] =	wrdreg $0x60  }
0xae: {  	[dreg:$0x2] =	wrdreg s24  }
0xaf: {  	[dreg:$0x3] =	wrdreg $0x9  }
0xb0: {  	_ =	task.clear_ibuf [dreg:s6], $0x4FFFF;
	_ =	strace $0x90000046  }
0xb1: {  	s29 =	simm.s32 $0x9;
	_ =	strace $0x80000048  }
0xb2: {  	_ =	swait.ge [sflag:s29], $0x1  }
0xb3: {  	[sflag:s29] =	ssyncadd.s32 $0xFFFFFFFF  }
0xb4: {  	_ =	strace $0x90000048  }
0xb5: {  	_ =	sfence  }
0xb6: {  	s30 =	sld [smem:$0x0];
	_ =	sdelay $0x2  }
0xb7: {  	s31 =	sshll.u32 s1, $0xD;
	s1 =	sshrl.u32 s1, $0x2  }
0xb8: {  	s3 =	sand.u32 $0x4000, s31;
	s1 =	sadd.s32 s1, s30  }
0xb9: {  	s0 =	sor.u32 s3, s0;
	s1 =	sshll.u32 s1, $0x11  }
0xba: {  	s0 =	sor.u32 s1, s0  }
0xbb: {  	s0 =	sadd.s32 $0x8F2B, s0  }
0xbc: {  	[sflag:s0] =	ssyncadd.remote.s32 $0x1  }
0xbd: {  	_ =	sfence.sel $0xFFFF  }
0xbe: {  	[dreg:$0x0] =	wrdreg $0xFFFFFFFF;
	(pc) =	sbr.abs _section_cstart, $3  }
0xbf: {  	[dreg:$0x1] =	wrdreg $0xFFFFFFFF  }
0xc0: {  	_ =	task.clear_ibuf [dreg:s6], $0x2FFFF;
	_ =	strace $0x9FFFFFFF  }
0xc1: {  	(tm) =	ssettm $0x7FFFFFFF  }
tec
execute0_lowered:
.L_overlay_start_1:
0x0: {  	(tag) =	ssettag $0x1  }
0x1: {  	s0 =	rddreg [dreg:$0x0];
	s1 =	simm.s32 $0x0;
	s22 =	srdreg.scid  }
0x2: {  	s2 =	stileid.u32;
	s13 =	simm.s32 $0x5;
	s14 =	simm.s32 $0x64  }
0x3: {  	s31 =	simm.s32 $0x340;
	s17 =	simm.s32 $0x10080;
	s18 =	simm.s32 $0x478  }
0x4: {  	s19 =	simm.s32 $0x11980;
	s20 =	simm.s32 $0x4E0;
	s21 =	simm.s32 $0x13280  }
0x5: {  	s28 =	simm.s32 $0x17D80;
	s29 =	simm.s32 $0x1;
	s30 =	simm.s32 $0x40  }
0x6: {  	s11 =	simm.s32 $0x0;
	[smem:$0x7FF] =	sst s1;
	s3 =	sadd.s32 $0x1200, s0  }
0x7: {  	s1 =	sand.u32 $0x1, s22;
	s2 =	sshll.u32 s2, $0x1;
	s4 =	sadd.s32 $0x1B200, s0  }
0x8: {  	s23 =	sadd.s32 $0xA00, s0;
	s6 =	sadd.s32 $0xDE800, s0;
	s22 =	simm.s32 $0x548  }
0x9: {  	_ =	strace $0x80000047;
	s5 =	ssub.s32 $0x2, s1;
	s1 =	sor.u32 s1, s2  }
0xa: {  	[dreg:$0x2] =	wrdreg s23;
	s23 =	simm.s32 $0x14B80;
	s24 =	sshrl.u32 s5, $0x1  }
0xb: {  	s8 =	smul.u32 $0xD00, s1;
	s7 =	sshll.u32 s1, $0x5;
	s9 =	sshll.u32 s1, $0x8  }
0xc: {  	s25 =	ssub.s32 s5, s24;
	s10 =	sor.u32 $0x2, s7;
	s24 =	simm.s32 $0x5B0  }
0xd: {  	s5 =	simm.s32 $0x80;
	s26 =	sadd.s32 s3, s8;
	s0 =	smax.u32 s25, $0x1  }
0xe: {  	s25 =	simm.s32 $0x16480;
	s8 =	simm.s32 $0x2;
	[dreg:$0x3] =	wrdreg s26  }
0xf: {  	[dreg:$0x4] =	wrdreg s0;
	s0 =	simm.s32 $0xCE80;
	s26 =	simm.s32 $0x618  }
.LBB2_1:
0x10: {  	[dreg:$0x5] =	wrdreg s11  }
0x11: {  	s1 =	simm.s32 $0x0;
	s2 =	rddreg [dreg:$0x2];
	s16 =	simm.s32 $0x19680  }
0x12: {  	[tilespmem:s16], [sflag:$0x5] =	stream.linear.gather [hbm4b:s2+s1], $0x3200, $0x38;
	[tilespmem:$0x1C880] =	vst v63  }
0x13: {  	_ =	swait.ge [sflag:s13], $0x3200  }
0x14: {  	[sflag:s13] =	ssyncset.done $0x0  }
0x15: {  	s11 =	rddreg [dreg:$0x3];
	[sflag:s13] =	ssyncadd.s32 $0xFFFFCE00  }
0x16: {  	[tilespmem:s1], [sflag:$0x5] =	stream.linear.gather [hbm4b:s11+s1], $0x340, $0x38;
	[tilespmem:$0x1C880] =	vst v63  }
0x17: {  	_ =	swait.ge [sflag:s13], $0x340  }
0x18: {  	[sflag:s13] =	ssyncset.done $0x0  }
0x19: {  	s12 =	simm.s32 $0x680;
	[sflag:s13] =	ssyncadd.s32 $0xFFFFFCC0  }
0x1a: {  	[tilespmem:s12], [sflag:$0x1] =	stream.indirect.gather [hbm4b:s4+s14], $0x40, s1, s14, $0xb8;
	[tilespmem:$0x1C880] =	vst v63  }
0x1b: {  	s15 =	simm.s32 $0x68;
	s16 =	simm.s32 $0x1F80  }
0x1c: {  	[tilespmem:s16], [sflag:$0x1] =	stream.indirect.gather [hbm4b:s4+s14], $0x40, s15, s14, $0xb8;
	[tilespmem:$0x1C880] =	vst v63  }
0x1d: {  	s11 =	simm.s32 $0xD0;
	s12 =	simm.s32 $0x3880  }
0x1e: {  	[tilespmem:s12], [sflag:$0x1] =	stream.indirect.gather [hbm4b:s4+s14], $0x40, s11, s14, $0xb8;
	[tilespmem:$0x1C880] =	vst v63  }
0x1f: {  	s15 =	simm.s32 $0x138;
	s16 =	simm.s32 $0x5180  }
0x20: {  	[tilespmem:s16], [sflag:$0x1] =	stream.indirect.gather [hbm4b:s4+s14], $0x40, s15, s14, $0xb8;
	[tilespmem:$0x1C880] =	vst v63  }
0x21: {  	s11 =	simm.s32 $0x1A0;
	s12 =	simm.s32 $0x6A80  }
0x22: {  	[tilespmem:s12], [sflag:$0x1] =	stream.indirect.gather [hbm4b:s4+s14], $0x40, s11, s14, $0xb8;
	[tilespmem:$0x1C880] =	vst v63  }
0x23: {  	s15 =	simm.s32 $0x208;
	s16 =	simm.s32 $0x8380  }
0x24: {  	[tilespmem:s16], [sflag:$0x1] =	stream.indirect.gather [hbm4b:s4+s14], $0x40, s15, s14, $0xb8;
	[tilespmem:$0x1C880] =	vst v63  }
0x25: {  	s11 =	simm.s32 $0x270;
	s12 =	simm.s32 $0x9C80  }
0x26: {  	[tilespmem:s12], [sflag:$0x1] =	stream.indirect.gather [hbm4b:s4+s14], $0x40, s11, s14, $0xb8;
	[tilespmem:$0x1C880] =	vst v63  }
0x27: {  	s2 =	simm.s32 $0x0;
	s15 =	simm.s32 $0x2D8;
	s16 =	simm.s32 $0xB580  }
0x28: {  	[tilespmem:s16], [sflag:$0x1] =	stream.indirect.gather [hbm4b:s4+s14], $0x40, s15, s14, $0xb8;
	[tilespmem:$0x1C880] =	vst v63  }
.LBB2_2:
0x29: {  	s11 =	sshllo.u32 s2, $0x1  }
0x2a: {  	p0 =	seq.s32 s2, $0x0;
	s1 =	sshll.u32 s11, $0x3  }
0x2b: {  	s12 =	simm.s32 @!p0 $0x4;
	s1 =	sadd.s32 s9, s1  }
0x2c: {  	_ =	swait.ge @!p0 [sflag:s12], $0xC800;
	s1 =	smul.u32 $0xD, s1  }
0x2d: {  	[sflag:s12] =	ssyncset.done @!p0 $0x0  }
0x2e: {  	s16 =	simm.s32 $0x0;
	[sflag:s12] =	ssyncadd.s32 @!p0 $0xFFFF3800;
	s1 =	sadd.s32 s3, s1  }
0x2f: {  	[tilespmem:s31], [sflag:$0x5] =	stream.linear.gather [hbm4b:s1+s16], $0x340, $0x38;
	[tilespmem:$0x1C880] =	vst v63  }
0x30: {  	_ =	swait.ge [sflag:s13], $0x340  }
0x31: {  	[sflag:s13] =	ssyncset.done $0x0  }
0x32: {  	[sflag:s13] =	ssyncadd.s32 $0xFFFFFCC0  }
0x33: {  	[tilespmem:s0], [sflag:$0x2] =	stream.indirect.gather [hbm4b:s4+s14], $0x40, s31, s14, $0xb8;
	[tilespmem:$0x1C880] =	vst v63  }
0x34: {  	s15 =	simm.s32 $0xE780;
	s12 =	simm.s32 $0x3A8  }
0x35: {  	[tilespmem:s15], [sflag:$0x2] =	stream.indirect.gather [hbm4b:s4+s14], $0x40, s12, s14, $0xb8;
	[tilespmem:$0x1C880] =	vst v63  }
0x36: {  	s16 =	simm.s32 $0x410  }
0x37: {  	[tilespmem:s17], [sflag:$0x2] =	stream.indirect.gather [hbm4b:s4+s14], $0x40, s16, s14, $0xb8;
	[tilespmem:$0x1C880] =	vst v63  }
0x38: {  	_ = 	snop  }
0x39: {  	[tilespmem:s19], [sflag:$0x2] =	stream.indirect.gather [hbm4b:s4+s14], $0x40, s18, s14, $0xb8;
	[tilespmem:$0x1C880] =	vst v63  }
0x3a: {  	_ = 	snop  }
0x3b: {  	[tilespmem:s21], [sflag:$0x2] =	stream.indirect.gather [hbm4b:s4+s14], $0x40, s20, s14, $0xb8;
	[tilespmem:$0x1C880] =	vst v63  }
0x3c: {  	_ = 	snop  }
0x3d: {  	[tilespmem:s23], [sflag:$0x2] =	stream.indirect.gather [hbm4b:s4+s14], $0x40, s22, s14, $0xb8;
	[tilespmem:$0x1C880] =	vst v63  }
0x3e: {  	_ = 	snop  }
0x3f: {  	[tilespmem:s25], [sflag:$0x2] =	stream.indirect.gather [hbm4b:s4+s14], $0x40, s24, s14, $0xb8;
	[tilespmem:$0x1C880] =	vst v63  }
0x40: {  	_ = 	snop  }
0x41: {  	[tilespmem:s28], [sflag:$0x2] =	stream.indirect.gather [hbm4b:s4+s14], $0x40, s26, s14, $0xb8;
	[tilespmem:$0x1C880] =	vst v63  }
0x42: {  	_ =	swait.ge [sflag:s29], $0xC800  }
0x43: {  	[sflag:s29] =	ssyncset.done $0x0  }
0x44: {  	s15 =	simm.s32 $0x0;
	[sflag:s29] =	ssyncadd.s32 $0xFFFF3800  }
0x45: {  	v3 =	vld [tilespmem:s15+$0x19680]  }
0x46: {  	v2 =	vld [tilespmem:s15+$0x19690]  }
0x47: {  	v1 =	vld [tilespmem:s15+$0x196A0]  }
0x48: {  	v0 =	vld [tilespmem:s15+$0x196B0]  }
0x49: {  	v4 =	vld [tilespmem:s15+$0x680]  }
0x4a: {  	v5 =	vld [tilespmem:s15+$0x690]  }
0x4b: {  	v6 =	vld [tilespmem:s15+$0x6A0]  }
0x4c: {  	v7 =	vld [tilespmem:s15+$0x6B0]  }
0x4d: {  	v8 =	vld [tilespmem:s15+$0x3880]  }
0x4e: {  	v9 =	vld [tilespmem:s15+$0x3890];
	v4 =	vadd.f32 v4, v3  }
0x4f: {  	v10 =	vld [tilespmem:s15+$0x38A0];
	v5 =	vadd.f32 v5, v2  }
0x50: {  	v11 =	vld [tilespmem:s15+$0x38B0];
	[tilespmem:s15+$0x680] =	vst v4;
	v4 =	vadd.f32 v6, v1  }
0x51: {  	v12 =	vld [tilespmem:s15+$0x6A80];
	[tilespmem:s15+$0x690] =	vst v5;
	v5 =	vadd.f32 v7, v0  }
0x52: {  	v13 =	vld [tilespmem:s15+$0x6A90];
	[tilespmem:s15+$0x6A0] =	vst v4;
	v4 =	vadd.f32 v8, v3  }
0x53: {  	v6 =	vadd.f32 v9, v2;
	[tilespmem:s15+$0x6B0] =	vst v5;
	v5 =	vld [tilespmem:s15+$0x6AA0]  }
0x54: {  	v7 =	vadd.f32 v10, v1;
	[tilespmem:s15+$0x3880] =	vst v4;
	v4 =	vld [tilespmem:s15+$0x6AB0]  }
0x55: {  	[tilespmem:s15+$0x3890] =	vst v6;
	v6 =	vld [tilespmem:s15+$0x9C80];
	v8 =	vadd.f32 v11, v0  }
0x56: {  	v10 =	vadd.f32 v12, v3;
	[tilespmem:s15+$0x38A0] =	vst v7;
	v7 =	vld [tilespmem:s15+$0x9C90]  }
0x57: {  	s1 =	sshll.u32 s2, $0x1;
	s12 =	simm.s32 $0x100;
	v9 =	vadd.f32 v13, v2;
	[tilespmem:s15+$0x38B0] =	vst v8;
	v8 =	vld [tilespmem:s15+$0x9CA0]  }
.LBB2_3:
0x58: {  	s16 =	sshra.s32 s12, $0x2;
	p0 =	sne.s32 s12, $0xC700;
	[tilespmem:s15+$0x6A80] =	vst v10;
	v5 =	vadd.f32 v5, v1;
	v10 =	vld [tilespmem:s15+$0x9CB0]  }
0x59: {  	v11 =	vld [tilespmem:s16+$0x19680];
	[tilespmem:s15+$0x6A90] =	vst v9;
	v4 =	vadd.f32 v4, v0  }
0x5a: {  	v9 =	vld [tilespmem:s16+$0x19690];
	[tilespmem:s15+$0x6AA0] =	vst v5;
	v3 =	vadd.f32 v6, v3  }
0x5b: {  	v5 =	vld [tilespmem:s16+$0x196A0];
	[tilespmem:s15+$0x6AB0] =	vst v4;
	v2 =	vadd.f32 v7, v2  }
0x5c: {  	v4 =	vld [tilespmem:s16+$0x196B0];
	[tilespmem:s15+$0x9C80] =	vst v3;
	v1 =	vadd.f32 v8, v1  }
0x5d: {  	v6 =	vld [tilespmem:s16+$0x680];
	[tilespmem:s15+$0x9C90] =	vst v2;
	v0 =	vadd.f32 v10, v0  }
0x5e: {  	v7 =	vld [tilespmem:s16+$0x690];
	[tilespmem:s15+$0x9CA0] =	vst v1;
	v3 =	vmov v11  }
0x5f: {  	v8 =	vld [tilespmem:s16+$0x6A0];
	[tilespmem:s15+$0x9CB0] =	vst v0;
	v2 =	vmov v9;
	s15 =	smov.u32 s16  }
0x60: {  	v9 =	vld [tilespmem:s15+$0x6B0];
	v1 =	vmov v5  }
0x61: {  	v5 =	vld [tilespmem:s15+$0x3880];
	v0 =	vmov v4  }
0x62: {  	v4 =	vadd.f32 v6, v3;
	v6 =	vld [tilespmem:s15+$0x3890]  }
0x63: {  	v7 =	vadd.f32 v7, v2;
	v10 =	vld [tilespmem:s15+$0x38A0]  }
0x64: {  	[tilespmem:s15+$0x680] =	vst v4;
	v4 =	vadd.f32 v8, v1;
	v8 =	vld [tilespmem:s15+$0x38B0]  }
0x65: {  	[tilespmem:s15+$0x690] =	vst v7;
	v7 =	vadd.f32 v9, v0;
	v9 =	vld [tilespmem:s15+$0x6A80]  }
0x66: {  	[tilespmem:s15+$0x6A0] =	vst v4;
	v4 =	vadd.f32 v5, v3;
	v11 =	vld [tilespmem:s15+$0x6A90]  }
.Ltmp0:
0x67: {  	[tilespmem:s15+$0x6B0] =	vst v7;
	v6 =	vadd.f32 v6, v2;
	v5 =	vld [tilespmem:s15+$0x6AA0];
	(pc) =	sbr.rel @p0 .LBB2_3-.Ltmp0, $4  }
0x68: {  	[tilespmem:s15+$0x3880] =	vst v4;
	v7 =	vadd.f32 v10, v1;
	v4 =	vld [tilespmem:s15+$0x6AB0]  }
0x69: {  	[tilespmem:s15+$0x3890] =	vst v6;
	v8 =	vadd.f32 v8, v0;
	v6 =	vld [tilespmem:s15+$0x9C80]  }
0x6a: {  	[tilespmem:s15+$0x38A0] =	vst v7;
	v10 =	vadd.f32 v9, v3;
	v7 =	vld [tilespmem:s15+$0x9C90]  }
0x6b: {  	s12 =	sadd.s32 $0x100, s12;
	[tilespmem:s15+$0x38B0] =	vst v8;
	v9 =	vadd.f32 v11, v2;
	v8 =	vld [tilespmem:s15+$0x9CA0]  }
0x6c: {  	[tilespmem:s15+$0x6A80] =	vst v10;
	v5 =	vadd.f32 v5, v1;
	v10 =	vld [tilespmem:s15+$0x9CB0]  }
0x6d: {  	[tilespmem:s15+$0x6A90] =	vst v9;
	v4 =	vadd.f32 v4, v0  }
0x6e: {  	[tilespmem:s15+$0x6AA0] =	vst v5;
	v3 =	vadd.f32 v6, v3  }
0x6f: {  	[tilespmem:s15+$0x6AB0] =	vst v4;
	v2 =	vadd.f32 v7, v2  }
0x70: {  	s12 =	sadd.s32 s7, s1;
	[tilespmem:s15+$0x9C80] =	vst v3;
	v1 =	vadd.f32 v8, v1  }
0x71: {  	s12 =	smul.u32 $0x3200, s12;
	[tilespmem:s15+$0x9C90] =	vst v2;
	v0 =	vadd.f32 v10, v0  }
0x72: {  	[tilespmem:s15+$0x9CA0] =	vst v1  }
0x73: {  	s16 =	simm.s32 $0x680;
	p0 =	seq.s32 s2, $0xF;
	s12 =	sadd.s32 s6, s12;
	[tilespmem:s15+$0x9CB0] =	vst v0  }
0x74: {  	[hbm4b:s12+s30] =	stream.strided.scatter [tilespmem:s16], [sflag:$0x3], $0xC800, s5, s30, $0x38;
	[tilespmem:$0x1C880] =	vst v63  }
0x75: {  	s1 =	sadd.s32 @!p0 s1, s10;
	s12 =	simm.s32 @!p0 $0x3  }
0x76: {  	s1 =	smul.u32 @!p0 $0x68, s1;
	_ =	swait.ge @!p0 [sflag:s12], $0xC800  }
0x77: {  	[sflag:s12] =	ssyncset.done @!p0 $0x0  }
0x78: {  	s1 =	sadd.s32 @!p0 s3, s1;
	[sflag:s12] =	ssyncadd.s32 @!p0 $0xFFFF3800;
	s12 =	simm.s32 @!p0 $0x0  }
0x79: {  	[tilespmem:s12], [sflag:$0x5] =	stream.linear.gather @!p0 [hbm4b:s1+s12], $0x340, $0x38;
	[tilespmem:$0x1C880] =	vst v63  }
0x7a: {  	s1 =	simm.s32 @!p0 $0x5  }
0x7b: {  	_ =	swait.ge @!p0 [sflag:s1], $0x340  }
0x7c: {  	[sflag:s1] =	ssyncset.done @!p0 $0x0  }
0x7d: {  	s15 =	simm.s32 @!p0 $0x680;
	[sflag:s1] =	ssyncadd.s32 @!p0 $0xFFFFFCC0;
	s1 =	simm.s32 @!p0 $0x64  }
0x7e: {  	[tilespmem:s15], [sflag:$0x1] =	stream.indirect.gather @!p0 [hbm4b:s4+s1], $0x40, s12, s1, $0xb8;
	[tilespmem:$0x1C880] =	vst v63  }
0x7f: {  	s12 =	simm.s32 @!p0 $0x68;
	s15 =	simm.s32 @!p0 $0x1F80  }
0x80: {  	[tilespmem:s15], [sflag:$0x1] =	stream.indirect.gather @!p0 [hbm4b:s4+s1], $0x40, s12, s1, $0xb8;
	[tilespmem:$0x1C880] =	vst v63  }
0x81: {  	s12 =	simm.s32 @!p0 $0xD0;
	s15 =	simm.s32 @!p0 $0x3880  }
0x82: {  	[tilespmem:s15], [sflag:$0x1] =	stream.indirect.gather @!p0 [hbm4b:s4+s1], $0x40, s12, s1, $0xb8;
	[tilespmem:$0x1C880] =	vst v63  }
0x83: {  	s12 =	simm.s32 @!p0 $0x138;
	s15 =	simm.s32 @!p0 $0x5180  }
0x84: {  	[tilespmem:s15], [sflag:$0x1] =	stream.indirect.gather @!p0 [hbm4b:s4+s1], $0x40, s12, s1, $0xb8;
	[tilespmem:$0x1C880] =	vst v63  }
0x85: {  	s12 =	simm.s32 @!p0 $0x1A0;
	s15 =	simm.s32 @!p0 $0x6A80  }
0x86: {  	[tilespmem:s15], [sflag:$0x1] =	stream.indirect.gather @!p0 [hbm4b:s4+s1], $0x40, s12, s1, $0xb8;
	[tilespmem:$0x1C880] =	vst v63  }
0x87: {  	s12 =	simm.s32 @!p0 $0x208;
	s15 =	simm.s32 @!p0 $0x8380  }
0x88: {  	[tilespmem:s15], [sflag:$0x1] =	stream.indirect.gather @!p0 [hbm4b:s4+s1], $0x40, s12, s1, $0xb8;
	[tilespmem:$0x1C880] =	vst v63  }
0x89: {  	s12 =	simm.s32 @!p0 $0x270;
	s15 =	simm.s32 @!p0 $0x9C80  }
0x8a: {  	[tilespmem:s15], [sflag:$0x1] =	stream.indirect.gather @!p0 [hbm4b:s4+s1], $0x40, s12, s1, $0xb8;
	[tilespmem:$0x1C880] =	vst v63  }
0x8b: {  	s12 =	simm.s32 @!p0 $0x2D8;
	s15 =	simm.s32 @!p0 $0xB580  }
0x8c: {  	[tilespmem:s15], [sflag:$0x1] =	stream.indirect.gather @!p0 [hbm4b:s4+s1], $0x40, s12, s1, $0xb8;
	[tilespmem:$0x1C880] =	vst v63  }
0x8d: {  	_ =	swait.ge [sflag:s8], $0xC800  }
0x8e: {  	[sflag:s8] =	ssyncset.done $0x0  }
0x8f: {  	s15 =	simm.s32 $0x0;
	[sflag:s8] =	ssyncadd.s32 $0xFFFF3800  }
0x90: {  	v3 =	vld [tilespmem:s15+$0x19680]  }
0x91: {  	v2 =	vld [tilespmem:s15+$0x19690]  }
0x92: {  	v1 =	vld [tilespmem:s15+$0x196A0]  }
0x93: {  	v0 =	vld [tilespmem:s15+$0x196B0]  }
0x94: {  	v4 =	vld [tilespmem:s15+$0xCE80]  }
0x95: {  	v5 =	vld [tilespmem:s15+$0xCE90]  }
0x96: {  	v6 =	vld [tilespmem:s15+$0xCEA0]  }
0x97: {  	v7 =	vld [tilespmem:s15+$0xCEB0]  }
0x98: {  	v8 =	vld [tilespmem:s15+$0x10080]  }
0x99: {  	v9 =	vld [tilespmem:s15+$0x10090];
	v4 =	vadd.f32 v4, v3  }
0x9a: {  	v10 =	vld [tilespmem:s15+$0x100A0];
	v5 =	vadd.f32 v5, v2  }
0x9b: {  	v11 =	vld [tilespmem:s15+$0x100B0];
	[tilespmem:s15+$0xCE80] =	vst v4;
	v4 =	vadd.f32 v6, v1  }
0x9c: {  	v12 =	vld [tilespmem:s15+$0x13280];
	[tilespmem:s15+$0xCE90] =	vst v5;
	v5 =	vadd.f32 v7, v0  }
0x9d: {  	v13 =	vld [tilespmem:s15+$0x13290];
	[tilespmem:s15+$0xCEA0] =	vst v4;
	v4 =	vadd.f32 v8, v3  }
0x9e: {  	v6 =	vadd.f32 v9, v2;
	[tilespmem:s15+$0xCEB0] =	vst v5;
	v5 =	vld [tilespmem:s15+$0x132A0]  }
0x9f: {  	v7 =	vadd.f32 v10, v1;
	[tilespmem:s15+$0x10080] =	vst v4;
	v4 =	vld [tilespmem:s15+$0x132B0]  }
0xa0: {  	[tilespmem:s15+$0x10090] =	vst v6;
	v6 =	vld [tilespmem:s15+$0x16480];
	v8 =	vadd.f32 v11, v0  }
0xa1: {  	v10 =	vadd.f32 v12, v3;
	[tilespmem:s15+$0x100A0] =	vst v7;
	v7 =	vld [tilespmem:s15+$0x16490]  }
0xa2: {  	s1 =	simm.s32 $0x100;
	v9 =	vadd.f32 v13, v2;
	[tilespmem:s15+$0x100B0] =	vst v8;
	v8 =	vld [tilespmem:s15+$0x164A0]  }
.LBB2_5:
0xa3: {  	s12 =	sshra.s32 s1, $0x2;
	p0 =	sne.s32 s1, $0xC700;
	[tilespmem:s15+$0x13280] =	vst v10;
	v5 =	vadd.f32 v5, v1;
	v10 =	vld [tilespmem:s15+$0x164B0]  }
0xa4: {  	v11 =	vld [tilespmem:s12+$0x19680];
	[tilespmem:s15+$0x13290] =	vst v9;
	v4 =	vadd.f32 v4, v0  }
0xa5: {  	v9 =	vld [tilespmem:s12+$0x19690];
	[tilespmem:s15+$0x132A0] =	vst v5;
	v3 =	vadd.f32 v6, v3  }
0xa6: {  	v5 =	vld [tilespmem:s12+$0x196A0];
	[tilespmem:s15+$0x132B0] =	vst v4;
	v2 =	vadd.f32 v7, v2  }
0xa7: {  	v4 =	vld [tilespmem:s12+$0x196B0];
	[tilespmem:s15+$0x16480] =	vst v3;
	v1 =	vadd.f32 v8, v1  }
0xa8: {  	v6 =	vld [tilespmem:s12+$0xCE80];
	[tilespmem:s15+$0x16490] =	vst v2;
	v0 =	vadd.f32 v10, v0  }
0xa9: {  	v7 =	vld [tilespmem:s12+$0xCE90];
	[tilespmem:s15+$0x164A0] =	vst v1;
	v3 =	vmov v11  }
0xaa: {  	v8 =	vld [tilespmem:s12+$0xCEA0];
	[tilespmem:s15+$0x164B0] =	vst v0;
	v2 =	vmov v9;
	s15 =	smov.u32 s12  }
0xab: {  	v9 =	vld [tilespmem:s15+$0xCEB0];
	v1 =	vmov v5  }
0xac: {  	v5 =	vld [tilespmem:s15+$0x10080];
	v0 =	vmov v4  }
0xad: {  	v4 =	vadd.f32 v6, v3;
	v6 =	vld [tilespmem:s15+$0x10090]  }
0xae: {  	v7 =	vadd.f32 v7, v2;
	v10 =	vld [tilespmem:s15+$0x100A0]  }
0xaf: {  	[tilespmem:s15+$0xCE80] =	vst v4;
	v4 =	vadd.f32 v8, v1;
	v8 =	vld [tilespmem:s15+$0x100B0]  }
0xb0: {  	[tilespmem:s15+$0xCE90] =	vst v7;
	v7 =	vadd.f32 v9, v0;
	v9 =	vld [tilespmem:s15+$0x13280]  }
0xb1: {  	[tilespmem:s15+$0xCEA0] =	vst v4;
	v4 =	vadd.f32 v5, v3;
	v11 =	vld [tilespmem:s15+$0x13290]  }
.Ltmp1:
0xb2: {  	[tilespmem:s15+$0xCEB0] =	vst v7;
	v6 =	vadd.f32 v6, v2;
	v5 =	vld [tilespmem:s15+$0x132A0];
	(pc) =	sbr.rel @p0 .LBB2_5-.Ltmp1, $4  }
0xb3: {  	[tilespmem:s15+$0x10080] =	vst v4;
	v7 =	vadd.f32 v10, v1;
	v4 =	vld [tilespmem:s15+$0x132B0]  }
0xb4: {  	[tilespmem:s15+$0x10090] =	vst v6;
	v8 =	vadd.f32 v8, v0;
	v6 =	vld [tilespmem:s15+$0x16480]  }
0xb5: {  	[tilespmem:s15+$0x100A0] =	vst v7;
	v10 =	vadd.f32 v9, v3;
	v7 =	vld [tilespmem:s15+$0x16490]  }
0xb6: {  	s1 =	sadd.s32 $0x100, s1;
	[tilespmem:s15+$0x100B0] =	vst v8;
	v9 =	vadd.f32 v11, v2;
	v8 =	vld [tilespmem:s15+$0x164A0]  }
0xb7: {  	[tilespmem:s15+$0x13280] =	vst v10;
	v5 =	vadd.f32 v5, v1;
	v61 =	vld [tilespmem:s15+$0x164B0]  }
0xb8: {  	[tilespmem:s15+$0x13290] =	vst v9;
	v4 =	vadd.f32 v4, v0  }
0xb9: {  	s2 =	sadd.s32 $0x1, s2;
	[tilespmem:s15+$0x132A0] =	vst v5;
	v3 =	vadd.f32 v6, v3  }
0xba: {  	p0 =	sne.s32 s2, $0x10;
	[tilespmem:s15+$0x132B0] =	vst v4;
	v2 =	vadd.f32 v7, v2  }
.Ltmp2:
0xbb: {  	s1 =	sadd.s32 s7, s11;
	[tilespmem:s15+$0x16480] =	vst v3;
	v62 =	vadd.f32 v8, v1;
	(pc) =	sbr.rel @p0 .LBB2_2-.Ltmp2, $4  }
0xbc: {  	s1 =	smul.u32 $0x3200, s1;
	[tilespmem:s15+$0x16490] =	vst v2;
	v63 =	vadd.f32 v61, v0  }
0xbd: {  	[tilespmem:s15+$0x164A0] =	vst v62  }
0xbe: {  	s1 =	sadd.s32 s6, s1;
	[tilespmem:s15+$0x164B0] =	vst v63  }
0xbf: {  	[hbm4b:s1+s30] =	stream.strided.scatter [tilespmem:s0], [sflag:$0x4], $0xC800, s5, s30, $0x38;
	[tilespmem:$0x1C880] =	vst v63  }
0xc0: {  	s1 =	simm.s32 $0x3  }
0xc1: {  	_ =	swait.ge [sflag:s1], $0xC800  }
0xc2: {  	[sflag:s1] =	ssyncset.done $0x0  }
0xc3: {  	s2 =	simm.s32 $0x4;
	[sflag:s1] =	ssyncadd.s32 $0xFFFF3800  }
0xc4: {  	_ =	swait.ge [sflag:s2], $0xC800  }
0xc5: {  	s11 =	rddreg [dreg:$0x5]  }
0xc6: {  	s16 =	rddreg [dreg:$0x4];
	s11 =	sadd.s32 $0x1, s11  }
0xc7: {  	p0 =	sne.s32 s11, s16  }
.Ltmp3:
0xc8: {  	_ = 	snop;
	(pc) =	sbr.rel @p0 .LBB2_1-.Ltmp3, $3  }
0xc9: {  	_ =	sdelay $0x1  }
0xca: {  	[sflag:s2] =	ssyncset.done $0x0  }
0xcb: {  	[sflag:s2] =	ssyncadd.s32 $0xFFFF3800  }
0xcc: {  	_ =	sfence.sel $0x180000  }
0xcd: {  	[bflag:$0x0] =	sbarrier.arrive $0xFFFF  }
0xce: {  	_ =	strace $0x90000047  }
0xcf: {  	s0 =	stileid.u32;
	[bflag:$0x2] =	sbarrier.arrive $0xFFFF  }
0xd0: {  	p0 =	sne.s32 s0, $0x0;
	s0 =	rddreg [dreg:$0x1]  }
0xd1: {  	s0 =	sadd.s32 @!p0 $0x100000, s0  }
0xd2: {  	[sflag:s0] =	ssyncadd.tile.s32 @!p0 $0x1;
	_ =	shalt  }
.Lfunc_end2:
_tile_overlayer_lowered:
.L_overlay_start_2:
0xd3: {  	(tag) =	ssettag $0x2  }
0xd4: {  	s0 =	rddreg [dreg:$0x0];
	s2 =	stileid.u32  }
0xd5: {  	s1 =	rddreg [dreg:$0x1];
	p0 =	sne.s32 s2, $0x0  }
0xd6: {  	s3 =	rddreg [dreg:$0x2];
	[bflag:$0x3] =	sbarrier.arrive $0xFFFF;
	s2 =	simm.s32 @!p0 $0x1C05  }
0xd7: {  	[timem:s3], [sflag:s2] =	dma.local @!p0 [hbm:s0], s1  }
0xd8: {  	s0 =	simm.s32 @!p0 $0x5  }
0xd9: {  	_ =	swait.ge @!p0 [sflag:s0], s1  }
0xda: {  	s1 =	ssub.s32 @!p0 $0x0, s1;
	[sflag:s0] =	ssyncset.done @!p0 $0x0  }
0xdb: {  	[sflag:s0] =	ssyncadd.s32 @!p0 s1  }
0xdc: {  	[bflag:$0x3] =	sbarrier.arrive $0xFFFF  }
0xdd: {  	_ =	shalt  }

// kernel: sparse-core-data-format-call.cloned.1.call-start
scs
called_computation_lowered:
.L_overlay_start_0:
0x0: {  	s2 =	sld [smem:$0x3FD9]  }
0x1: {  	s3 =	sld [smem:$0x3FFE];
	_ =	sdelay $0x1  }
0x2: {  	s1 =	srdreg.scid  }
0x3: {  	s0 =	sand.u32 $0x1, s1  }
0x4: {  	s18 =	sshll.u32 s0, $0xA;
	s2 =	sadd.s32 s3, s2  }
0x5: {  	s2 =	sadd.s32 s2, s18  }
0x6: {  	[smem:$0x3FC5] =	sst s2  }
0x7: {  	_ = 	snop  }
0x8: {  	s2 =	sld [smem:$0x3FD0];
	(tm) =	ssettm $0x1  }
0x9: {  	s19 =	sld [smem:$0x3FFB];
	_ =	sdelay $0x3  }
0xa: {  	_ =	strace s19  }
0xb: {  	s3 =	sld [smem:$0x3FFC];
	_ =	sdelay $0x3  }
0xc: {  	_ =	strace s3  }
0xd: {  	s3 =	sld [smem:$0x3FFD];
	_ =	sdelay $0x3  }
0xe: {  	_ =	strace s3  }
0xf: {  	_ =	strace $0x8FFFFFFF  }
0x10: {  	s20 =	sld [smem:$0x3FDB];
	_ =	sdelay $0x1  }
0x11: {  	s4 =	simm.s32 $_scs_section_size  }
0x12: {  	s5 =	simm.s32 $_size__tile_overlayer_lowered;
	s6 =	simm.s32 $_tile_overlayer_lowered  }
0x13: {  	s23 =	simm.s32 $0x1BFF;
	s22 =	sshll.u32 s6, $0x1;
	s3 =	sadd.s32 s4, s20  }
0x14: {  	s7 =	simm.s32 $0x0;
	s21 =	sshll.u32 s5, $0x1;
	s5 =	sadd.s32 s22, s3  }
0x15: {  	[timem:s7], [sflag:s23] =	dma.local [hbm:s5], s21  }
0x16: {  	_ =	swait.ge [sflag:s23], s21  }
0x17: {  	s4 =	ssub.s32 $0x0, s21;
	[sflag:s23] =	ssyncset.done $0x0  }
0x18: {  	[sflag:s23] =	ssyncadd.s32 s4;
	_ =	sdelay $0x1  }
0x19: {  	s24 =	simm.s32 $0x1B8B  }
0x1a: {  	_ =	swait.ge [sflag:s24], $0x1  }
0x1b: {  	[sflag:s24] =	ssyncset.done $0x0  }
0x1c: {  	s26 =	simm.s32 $0x1B8E;
	s25 =	sld [smem:$0x3FFE];
	[sflag:s24] =	ssyncadd.s32 $0xFFFFFFFF  }
0x1d: {  	s27 =	simm.s32 $execute0_lowered;
	[smem:$0x3FD2] =	sst s26  }
0x1e: {  	s5 =	sshll.u32 s27, $0x1;
	_ =	strace $0x80000049;
	[dreg:$0x1] =	wrdreg $0xFFFFFFFF  }
0x1f: {  	s28 =	simm.s32 $_size_execute0_lowered;
	s3 =	sadd.s32 s3, s5;
	[dreg:$0x0] =	wrdreg $0x0  }
0x20: {  	s5 =	sshll.u32 s28, $0x1;
	[dreg:$0x2] =	wrdreg s3  }
0x21: {  	[dreg:$0x3] =	wrdreg s5  }
0x22: {  	[dreg:$0x4] =	wrdreg $0xC0  }
0x23: {  	_ =	task [dreg:s7], $0x5FFFF  }
0x24: {  	[dreg:$0x1] =	wrdreg $0xFFFFFFFF  }
0x25: {  	[dreg:$0x0] =	wrdreg $0x60  }
0x26: {  	[dreg:$0x2] =	wrdreg s25  }
0x27: {  	[dreg:$0x3] =	wrdreg s2  }
0x28: {  	[dreg:$0x4] =	wrdreg $0x9  }
0x29: {  	_ =	task.clear_ibuf [dreg:s7], $0x5FFFF;
	_ =	strace $0x90000049  }
0x2a: {  	s29 =	simm.s32 $0x9;
	_ =	strace $0x8000004B  }
0x2b: {  	_ =	swait.ge [sflag:s29], $0x1  }
0x2c: {  	[sflag:s29] =	ssyncadd.s32 $0xFFFFFFFF  }
0x2d: {  	_ =	strace $0x9000004B  }
0x2e: {  	_ =	sfence  }
0x2f: {  	s30 =	sld [smem:$0x0];
	_ =	sdelay $0x2  }
0x30: {  	s31 =	sshll.u32 s1, $0xD;
	s1 =	sshrl.u32 s1, $0x2  }
0x31: {  	s3 =	sand.u32 $0x4000, s31;
	s1 =	sadd.s32 s1, s30  }
0x32: {  	s0 =	sor.u32 s3, s0;
	s1 =	sshll.u32 s1, $0x11  }
0x33: {  	s0 =	sor.u32 s1, s0  }
0x34: {  	s0 =	sadd.s32 $0x8F2B, s0  }
0x35: {  	[sflag:s0] =	ssyncadd.remote.s32 $0x1  }
0x36: {  	_ =	sfence.sel $0xFFFF  }
0x37: {  	[dreg:$0x0] =	wrdreg $0xFFFFFFFF;
	(pc) =	sbr.abs _section_cstart, $3  }
0x38: {  	[dreg:$0x1] =	wrdreg $0xFFFFFFFF  }
0x39: {  	_ =	task.clear_ibuf [dreg:s7], $0x2FFFF;
	_ =	strace $0x9FFFFFFF  }
0x3a: {  	(tm) =	ssettm $0x7FFFFFFF  }
0x3b: {  	_ =	shalt  }
tec
execute0_lowered:
.L_overlay_start_1:
0x0: {  	(tag) =	ssettag $0x1  }
0x1: {  	s0 =	srdreg.scid  }
0x2: {  	s1 =	sshll.u32 s0, $0x4  }
0x3: {  	s0 =	stileid.u32;
	s1 =	sand.u32 $0x10, s1  }
0x4: {  	s1 =	sor.u32 s0, s1  }
0x5: {  	s6 =	rddreg [dreg:$0x0];
	s4 =	simm.s32 $0x1;
	s2 =	sshll.u32 s1, $0x7  }
0x6: {  	s7 =	simm.s32 $0x2;
	s12 =	simm.s32 $0x0;
	s1 =	ssub.s32 $0x1000, s2  }
0x7: {  	s8 =	simm.s32 $0x8000;
	s13 =	simm.s32 $0x0;
	s3 =	sand.u32 $0xF80, s1  }
0x8: {  	s9 =	simm.s32 $0x0;
	s5 =	sshrl.u32 s1, $0xC;
	p0 =	sne.s32 s3, $0x0  }
.Ltmp0:
0x9: {  	s1 =	rddreg [dreg:$0x2];
	s4 =	simm.s32 @!p0 $0x0;
	(pc) =	sbr.rel .LBB1_1-.Ltmp0, $4  }
0xa: {  	s11 =	simm.s32 $0x0;
	s3 =	rddreg [dreg:$0x1];
	s5 =	sadd.s32 s4, s5  }
0xb: {  	_ =	strace $0x8000004A;
	s4 =	simm.s32 $0x1;
	s5 =	smul.u32 $0xC8, s5  }
0xc: {  	s6 =	sadd.s32 $0xDE800, s6;
	s10 =	smov.u32 s2;
	[sflag:s4] =	ssyncpa.u1 $0x0  }
0xd: {  	p0 =	por $0x0, $0x0;
	[sflag:s7] =	ssyncpa.u1 $0x0;
	s7 =	sor.u32 $0x1, s5  }
.LBB1_4:
0xe: {  	s16 =	sshll.u32 s13, $0x3;
	s17 =	sand.u32 $0x78, s13  }
0xf: {  	s30 =	sand.u32 $0x7E00, s13;
	s12 =	sshll.u32 s12, $0xF;
	s16 =	sand.u32 $0xC00, s16  }
0x10: {  	[tilespmem:s15+$0x810 ss:$0x81] =	vst.msk $0xffff, v2;
	s31 =	sand.u32 $0x7, s13;
	s16 =	sor.u32 s17, s16;
	s17 =	sadd.s32 s3, s30  }
0x11: {  	[tilespmem:s15+$0x1020 ss:$0x81] =	vst.msk $0xffff, v0;
	s13 =	sshll.u32 s31, $0x12;
	s12 =	sadd.s32 s12, s17;
	s16 =	sshrl.u32 s16, $0x3  }
0x12: {  	[tilespmem:s15+$0x0 ss:$0x81] =	vst.msk $0xffff, v1;
	s13 =	sor.u32 $0x400, s13;
	s12 =	sadd.s32 s16, s12  }
0x13: {  	[hbm4b:s12+s13] =	stream.strided.scatter [tilespmem:s14], [sflag:$0x2], $0x2000, s8, s13, $0x20;
	[tilespmem:$0x8080] =	vst v63  }
.LBB1_5:
0x14: {  	s14 =	sadd.s32 $0x1, s9  }
0x15: {  	s12 =	sadd.s32 $0x1000, s10;
	s16 =	smov.u32 s10;
	p2 =	sgt.s32 s14, $0xC7  }
0x16: {  	s16 =	smov.u32 @p2 s12  }
0x17: {  	s14 =	simm.s32 @p2 $0x0;
	p2 =	sgt.s32 s16, $0xFFF  }
0x18: {  	s16 =	smov.u32 @p2 s2;
	p2 =	sne.s32 s11, s7  }
.Ltmp1:
0x19: {  	p1 =	slt.u32 s11, $0x2;
	(pc) =	sbr.rel @!p2 .LBB1_6-.Ltmp1, $4  }
0x1a: {  	s15 =	simm.s32 @!p1 $0x2  }
0x1b: {  	s13 =	smov.u32 s10;
	p0 =	por !p0, !p0;
	_ =	swait.ge @!p1 [sflag:s15], $0x2000  }
0x1c: {  	s12 =	smov.u32 s9;
	[sflag:s15] =	ssyncset.done @!p1 $0x0;
	s9 =	smov.u32 s14  }
0x1d: {  	s11 =	sadd.s32 $0x1, s11;
	[sflag:s15] =	ssyncadd.s32 @!p1 $0xFFFFE000;
	s10 =	smov.u32 s16  }
.LBB1_1:
0x1e: {  	p1 =	sge.u32 s11, s5  }
0x1f: {  	s14 =	sand.u32 @!p1 $0x1FFFFFF, s9  }
0x20: {  	s15 =	smulhi.u32 @!p1 $0x147AE15, s14;
	_ =	sdelay $0x1  }
0x21: {  	s15 =	smul.u32 @!p1 $0xC8, s15  }
0x22: {  	s16 =	sxor.u32 @!p1 $0xFFFFFFFF, s11;
	s17 =	smul.u32 @!p1 $0xC80, s10  }
0x23: {  	s31 =	sadd.s32 $0xFFFFFFFF, s11;
	s16 =	sshll.u32 @!p1 s16, $0xD;
	s14 =	ssub.s32 @!p1 s14, s15  }
0x24: {  	s15 =	sand.u32 @!p1 $0x2000, s16;
	s16 =	sadd.s32 @!p1 s6, s17;
	s14 =	sshll.u32 @!p1 s14, $0x4  }
0x25: {  	s17 =	simm.s32 @!p1 $0x6400;
	s14 =	sadd.s32 @!p1 s14, s16;
	s16 =	simm.s32 @!p1 $0x40  }
0x26: {  	[tilespmem:s15], [sflag:$0x1] =	stream.strided.gather @!p1 [hbm4b:s14+s16], $0x2000, s17, s16, $0x38;
	[tilespmem:$0x8080] =	vst v63  }
0x27: {  	p1 =	sge.u32 s31, s5  }
.Ltmp2:
0x28: {  	_ = 	snop;
	(pc) =	sbr.rel @p1 .LBB1_5-.Ltmp2, $1  }
0x29: {  	_ =	sdelay $0x3  }
0x2a: {  	s14 =	simm.s32 $0x1  }
0x2b: {  	_ =	swait.ge [sflag:s4], $0x2000;
	s14 =	simm.s32 @!p0 $0x0  }
0x2c: {  	[sflag:s4] =	ssyncset.done $0x0;
	s15 =	sshll.u32 s14, $0xD  }
0x2d: {  	[sflag:s4] =	ssyncadd.s32 $0xFFFFE000;
	s18 =	sor.u32 $0x20, s15  }
0x2e: {  	s14 =	smul.u32 $0x8100, s14;
	v3 =	vld [tilespmem:s18+$0x10]  }
0x2f: {  	s30 =	sand.u32 $0x1, s11;
	v2 =	vld [tilespmem:s18+$0xFFFFFFF0]  }
0x30: {  	s15 =	smul.u32 $0x8100, s30;
	s14 =	sshrl.u32 s14, $0x2;
	v0 =	vld [tilespmem:s18+$0x0]  }
0x31: {  	v1 =	vld [tilespmem:s18+$0xFFFFFFE0];
	s16 =	sor.u32 $0x4000, s14  }
0x32: {  	s31 =	sshrl.u32 s15, $0x2;
	s15 =	sadd.s32 $0x0, s16  }
0x33: {  	s17 =	simm.s32 $0x4;
	s18 =	sadd.s32 $0x40, s18;
	s14 =	sor.u32 $0x4000, s31;
	[tilespmem:s15+$0x1830 ss:$0x81] =	vst.msk $0xffff, v3  }
.LBB1_3:
0x34: {  	v3 =	vld [tilespmem:s18+$0x10];
	p1 =	sne.s32 s17, $0x1FC;
	[tilespmem:s15+$0x810 ss:$0x81] =	vst.msk $0xffff, v2;
	s19 =	smov.u32 s17;
	s17 =	sadd.s32 $0x4, s17  }
.Ltmp3:
0x35: {  	v2 =	vld [tilespmem:s18+$0xFFFFFFF0];
	[tilespmem:s15+$0x1020 ss:$0x81] =	vst.msk $0xffff, v0;
	(pc) =	sbr.rel @p1 .LBB1_3-.Ltmp3, $4  }
0x36: {  	v0 =	vld [tilespmem:s18+$0x0];
	[tilespmem:s15+$0x0 ss:$0x81] =	vst.msk $0xffff, v1  }
0x37: {  	s15 =	sshra.s32 s19, $0x2;
	v1 =	vld [tilespmem:s18+$0xFFFFFFE0]  }
0x38: {  	s15 =	sadd.s32 s15, s16  }
0x39: {  	s18 =	sadd.s32 $0x40, s18;
	[tilespmem:s15+$0x1830 ss:$0x81] =	vst.msk $0xffff, v3  }
.Ltmp4:
0x3a: {  	_ = 	snop;
	(pc) =	sbr.rel .LBB1_4-.Ltmp4, $1  }
0x3b: {  	_ =	sdelay $0x3  }
.LBB1_6:
0x3c: {  	_ =	sfence.sel $0x180000  }
0x3d: {  	s2 =	simm.s32 $0x1;
	[bflag:$0x0] =	sbarrier.arrive $0xFFFF  }
0x3e: {  	s31 =	simm.s32 $0x2;
	[sflag:s2] =	ssyncpa.u1 $0x1  }
0x3f: {  	[sflag:s31] =	ssyncpa.u1 $0x1  }
0x40: {  	p0 =	sne.s32 s0, $0x0;
	_ =	strace $0x9000004A  }
0x41: {  	s0 =	sadd.s32 @!p0 $0x100000, s1;
	[bflag:$0x2] =	sbarrier.arrive $0xFFFF  }
0x42: {  	[sflag:s0] =	ssyncadd.tile.s32 @!p0 $0x1;
	_ =	shalt  }
.Lfunc_end1:
_tile_overlayer_lowered:
.L_overlay_start_2:
0x43: {  	(tag) =	ssettag $0x2  }
0x44: {  	s0 =	rddreg [dreg:$0x0];
	s2 =	stileid.u32  }
0x45: {  	s1 =	rddreg [dreg:$0x1];
	p0 =	sne.s32 s2, $0x0  }
0x46: {  	s3 =	rddreg [dreg:$0x2];
	[bflag:$0x3] =	sbarrier.arrive $0xFFFF;
	s2 =	simm.s32 @!p0 $0x1C01  }
0x47: {  	[timem:s3], [sflag:s2] =	dma.local @!p0 [hbm:s0], s1  }
0x48: {  	s0 =	simm.s32 @!p0 $0x1  }
0x49: {  	_ =	swait.ge @!p0 [sflag:s0], s1  }
0x4a: {  	s1 =	ssub.s32 @!p0 $0x0, s1;
	[sflag:s0] =	ssyncset.done @!p0 $0x0  }
0x4b: {  	[sflag:s0] =	ssyncadd.s32 @!p0 s1  }
0x4c: {  	[bflag:$0x3] =	sbarrier.arrive $0xFFFF  }
0x4d: {  	_ =	shalt  }

</sc_bundles>
